<compile_context>
chip_gen: v7x
topology: tpu7x:2x2x1
jax: 0.10.2.dev20260603
libtpu: 0.0.44.dev20260713+nightly
codegen_flags: <defaults>
</compile_context>

<pallas_src>
import functools

import jax
import jax.numpy as jnp
from jax import lax
from jax.experimental import pallas as pl
from jax.experimental.pallas import tpu as pltpu
from jax.experimental.pallas import tpu_sc as plsc

_D = 64
_NC = 2
_NS = 16
_NW = _NC * _NS
_IDX_PER_STREAM = 128
_KG = 5
_CHUNK = _IDX_PER_STREAM * _KG


def _make_gather(n_rows: int):
    assert n_rows % (_NW * _CHUNK) == 0
    rows_per_w = n_rows // _NW
    n_groups = rows_per_w // _CHUNK
    assert n_groups % 2 == 0 and n_groups >= 4
    mesh = plsc.VectorSubcoreMesh(core_axis_name="c", subcore_axis_name="s")

    @functools.partial(
        pl.kernel,
        out_type=jax.ShapeDtypeStruct((n_rows, _D), jnp.float32),
        mesh=mesh,
        scratch_types=[
            pltpu.VMEM((rows_per_w,), jnp.int32),
            pltpu.VMEM((2, _CHUNK, _D), jnp.float32),
            pltpu.SemaphoreType.DMA,
            pltpu.SemaphoreType.DMA,
            pltpu.SemaphoreType.DMA,
        ],
        compiler_params=pltpu.CompilerParams(use_tc_tiling_on_sc=False),
    )
    def gather(table_hbm, idx_hbm, out_hbm, idx_v, rows_v, sem_i, sem_g, sem_w):
        wid = lax.axis_index("s") * _NC + lax.axis_index("c")
        base = wid * rows_per_w

        def fire_gathers(g, b):
            for j in range(_KG):
                s = j * _IDX_PER_STREAM
                pltpu.async_copy(
                    table_hbm.at[idx_v.at[pl.ds(g * _CHUNK + s, _IDX_PER_STREAM)]],
                    rows_v.at[b, pl.ds(s, _IDX_PER_STREAM)],
                    sem_g,
                )

        def drain_gathers(b):
            pltpu.make_async_copy(
                table_hbm.at[pl.ds(0, _CHUNK)], rows_v.at[b], sem_g
            ).wait()

        def fire_write(g, b):
            pltpu.async_copy(
                rows_v.at[b], out_hbm.at[pl.ds(base + g * _CHUNK, _CHUNK)], sem_w
            )

        def drain_write(b):
            pltpu.make_async_copy(
                table_hbm.at[pl.ds(0, _CHUNK)], rows_v.at[b], sem_w
            ).wait()

        pltpu.async_copy(idx_hbm.at[pl.ds(base, rows_per_w)], idx_v, sem_i).wait()

        fire_gathers(0, 0)
        drain_gathers(0)
        fire_write(0, 0)
        fire_gathers(1, 1)

        @pl.loop(0, n_groups - 2, step=2)
        def steady(k):
            for u in range(2):
                g = k + 1 + u
                b = (u + 1) % 2
                nb = 1 - b
                drain_gathers(b)
                fire_write(g, b)
                drain_write(nb)
                fire_gathers(g + 1, nb)

        drain_gathers(1)
        fire_write(n_groups - 1, 1)
        drain_write(0)
        drain_write(1)

    return gather


def kernel(actions, table):
    b, s = actions.shape
    idx = actions.reshape(-1).astype(jnp.int32)
    out = _make_gather(idx.shape[0])(table, idx)
    return out.reshape(b, s, _D)

# --- scband reference (transcript-rebuilt; emitter-appended) ---
"""Pipeline reference for scband-arc-action-encoder-42253888258398 (READ-ONLY COPY).

The authoritative reference and input builder live on the scoring server;
editing this copy changes nothing except your own understanding.
"""

import jax, jax.numpy as jnp
import numpy as np

NUM_ACTIONS = 100000
EMBED_DIM = 64
BATCH = 16384
SEQ = 50


def setup_inputs(seed: int = 0) -> dict:
    key = jax.random.key(seed)
    k1, k2 = jax.random.split(key)
    actions = jax.random.randint(k1, (BATCH, SEQ), 0, NUM_ACTIONS, dtype=jnp.int64 if jax.config.jax_enable_x64 else jnp.int32)
    # nn.Embedding default init is N(0,1); initialize_weights may alter it, but N(0,1) table is representative
    table = jax.random.normal(k2, (NUM_ACTIONS, EMBED_DIM), dtype=jnp.float32)
    return {"actions": actions, "table": table}


def reference(actions, table):
    # Faithful to ARC_ActionEncoder with encoder_type='embedding':
    # out = embedding(actions) -> gather rows of the table
    return jnp.take(table, actions, axis=0)

if __name__ == "__main__":
    import jax
    _d = setup_inputs()
    print(jax.jit(kernel)(*tuple(_d.values())))

</pallas_src>

<mosaic_0001>
#map = affine_map<(d0, d1) -> (0, 0)>
#map1 = affine_map<(d0, d1) -> (0)>
module attributes {stable_mosaic.version = 14 : i64} {
  func.func @gather(%arg0: i32, %arg1: i32, %arg2: memref<100000x64xf32, #tpu.memory_space<hbm>>, %arg3: memref<819200xi32, #tpu.memory_space<hbm>>, %arg4: memref<819200x64xf32, #tpu.memory_space<hbm>>, %arg5: memref<25600xi32, #tpu.memory_space<vmem>>, %arg6: memref<2x640x64xf32, #tpu.memory_space<vmem>>, %arg7: memref<!tpu.dma_semaphore, #tpu.memory_space<semaphore_mem>>, %arg8: memref<!tpu.dma_semaphore, #tpu.memory_space<semaphore_mem>>, %arg9: memref<!tpu.dma_semaphore, #tpu.memory_space<semaphore_mem>>) attributes {dimension_semantics = [#tpu.dimension_semantics<core_parallel>, #tpu.dimension_semantics<subcore_parallel>], iteration_bounds = array<i64: 2, 16>, scalar_prefetch = 0 : i64, scratch_operands = 5 : i64, tpu.core_type = #tpu.core_type<sc_vector_subcore>, window_params = [{transform_indices = #map}, {transform_indices = #map1}, {transform_indices = #map}]} {
    %mul3A = arith.constant 2 : i32
    %mul3A_0 = arith.muli %arg1, %mul3A : i32
    %add3A = arith.addi %mul3A_0, %arg0 : i32
    %mul3A_1 = arith.constant 25600 : i32
    %mul3A_2 = arith.muli %add3A, %mul3A_1 : i32
    %dma_start3A = tpu.memref_slice %arg3[%mul3A_2] : memref<819200xi32, #tpu.memory_space<hbm>> -> memref<25600xi32, #tpu.memory_space<hbm>>
    %dma_start3A_3 = tpu.memref_slice %arg3[%mul3A_2] : memref<819200xi32, #tpu.memory_space<hbm>> -> memref<25600xi32, #tpu.memory_space<hbm>>
    tpu.enqueue_dma source(%dma_start3A_3 : memref<25600xi32, #tpu.memory_space<hbm>>) target(%arg5 : memref<25600xi32, #tpu.memory_space<vmem>>) target_semaphore(%arg7 : memref<!tpu.dma_semaphore, #tpu.memory_space<semaphore_mem>>)
    %dma_wait3A = tpu.memref_slice %arg3[%mul3A_2] : memref<819200xi32, #tpu.memory_space<hbm>> -> memref<25600xi32, #tpu.memory_space<hbm>>
    %dma_wait3A_4 = tpu.memref_slice %arg3[%mul3A_2] : memref<819200xi32, #tpu.memory_space<hbm>> -> memref<25600xi32, #tpu.memory_space<hbm>>
    tpu.wait_dma2 semaphore(%arg7 : memref<!tpu.dma_semaphore, #tpu.memory_space<semaphore_mem>>) src(%dma_wait3A_4 : memref<25600xi32, #tpu.memory_space<hbm>>) dst(%arg5 : memref<25600xi32, #tpu.memory_space<vmem>>)
    %dma_start3A_5 = arith.constant 0 : i32
    %dma_start3A_6 = arith.constant 0 : i32
    %dma_start3A_7 = arith.constant 0 : i32
    %dma_start3A_8 = tpu.memref_slice %arg6[%dma_start3A_5, %dma_start3A_6, %dma_start3A_7] : memref<2x640x64xf32, #tpu.memory_space<vmem>> -> memref<1x128x64xf32, #tpu.memory_space<vmem>>
    %dma_start3A_9 = tpu.memref_squeeze %dma_start3A_8 : memref<1x128x64xf32, #tpu.memory_space<vmem>> -> memref<128x64xf32, #tpu.memory_space<vmem>>
    %dma_start3A_10 = arith.constant 0 : i32
    %dma_start3A_11 = tpu.memref_slice %arg5[%dma_start3A_10] : memref<25600xi32, #tpu.memory_space<vmem>> -> memref<128xi32, #tpu.memory_space<vmem>>
    %dma_start3A_12 = arith.constant 0 : i32
    %dma_start3A_13 = arith.constant 0 : i32
    %dma_start3A_14 = tpu.memref_slice %arg2[%dma_start3A_12, %dma_start3A_13] : memref<100000x64xf32, #tpu.memory_space<hbm>> -> memref<100000x64xf32, #tpu.memory_space<hbm>>
    tpu.enqueue_indirect_dma source(%dma_start3A_14 : memref<100000x64xf32, #tpu.memory_space<hbm>>) target(%dma_start3A_9 : memref<128x64xf32, #tpu.memory_space<vmem>>) offsets(%dma_start3A_11 : memref<128xi32, #tpu.memory_space<vmem>>) semaphore(%arg8 : memref<!tpu.dma_semaphore, #tpu.memory_space<semaphore_mem>>)
    %dma_start3A_15 = arith.constant 0 : i32
    %dma_start3A_16 = arith.constant 128 : i32
    %dma_start3A_17 = arith.constant 0 : i32
    %dma_start3A_18 = tpu.memref_slice %arg6[%dma_start3A_15, %dma_start3A_16, %dma_start3A_17] : memref<2x640x64xf32, #tpu.memory_space<vmem>> -> memref<1x128x64xf32, #tpu.memory_space<vmem>>
    %dma_start3A_19 = tpu.memref_squeeze %dma_start3A_18 : memref<1x128x64xf32, #tpu.memory_space<vmem>> -> memref<128x64xf32, #tpu.memory_space<vmem>>
    %dma_start3A_20 = arith.constant 128 : i32
    %dma_start3A_21 = tpu.memref_slice %arg5[%dma_start3A_20] : memref<25600xi32, #tpu.memory_space<vmem>> -> memref<128xi32, #tpu.memory_space<vmem>>
    %dma_start3A_22 = arith.constant 0 : i32
    %dma_start3A_23 = arith.constant 0 : i32
    %dma_start3A_24 = tpu.memref_slice %arg2[%dma_start3A_22, %dma_start3A_23] : memref<100000x64xf32, #tpu.memory_space<hbm>> -> memref<100000x64xf32, #tpu.memory_space<hbm>>
    tpu.enqueue_indirect_dma source(%dma_start3A_24 : memref<100000x64xf32, #tpu.memory_space<hbm>>) target(%dma_start3A_19 : memref<128x64xf32, #tpu.memory_space<vmem>>) offsets(%dma_start3A_21 : memref<128xi32, #tpu.memory_space<vmem>>) semaphore(%arg8 : memref<!tpu.dma_semaphore, #tpu.memory_space<semaphore_mem>>)
    %dma_start3A_25 = arith.constant 0 : i32
    %dma_start3A_26 = arith.constant 256 : i32
    %dma_start3A_27 = arith.constant 0 : i32
    %dma_start3A_28 = tpu.memref_slice %arg6[%dma_start3A_25, %dma_start3A_26, %dma_start3A_27] : memref<2x640x64xf32, #tpu.memory_space<vmem>> -> memref<1x128x64xf32, #tpu.memory_space<vmem>>
    %dma_start3A_29 = tpu.memref_squeeze %dma_start3A_28 : memref<1x128x64xf32, #tpu.memory_space<vmem>> -> memref<128x64xf32, #tpu.memory_space<vmem>>
    %dma_start3A_30 = arith.constant 256 : i32
    %dma_start3A_31 = tpu.memref_slice %arg5[%dma_start3A_30] : memref<25600xi32, #tpu.memory_space<vmem>> -> memref<128xi32, #tpu.memory_space<vmem>>
    %dma_start3A_32 = arith.constant 0 : i32
    %dma_start3A_33 = arith.constant 0 : i32
    %dma_start3A_34 = tpu.memref_slice %arg2[%dma_start3A_32, %dma_start3A_33] : memref<100000x64xf32, #tpu.memory_space<hbm>> -> memref<100000x64xf32, #tpu.memory_space<hbm>>
    tpu.enqueue_indirect_dma source(%dma_start3A_34 : memref<100000x64xf32, #tpu.memory_space<hbm>>) target(%dma_start3A_29 : memref<128x64xf32, #tpu.memory_space<vmem>>) offsets(%dma_start3A_31 : memref<128xi32, #tpu.memory_space<vmem>>) semaphore(%arg8 : memref<!tpu.dma_semaphore, #tpu.memory_space<semaphore_mem>>)
    %dma_start3A_35 = arith.constant 0 : i32
    %dma_start3A_36 = arith.constant 384 : i32
    %dma_start3A_37 = arith.constant 0 : i32
    %dma_start3A_38 = tpu.memref_slice %arg6[%dma_start3A_35, %dma_start3A_36, %dma_start3A_37] : memref<2x640x64xf32, #tpu.memory_space<vmem>> -> memref<1x128x64xf32, #tpu.memory_space<vmem>>
    %dma_start3A_39 = tpu.memref_squeeze %dma_start3A_38 : memref<1x128x64xf32, #tpu.memory_space<vmem>> -> memref<128x64xf32, #tpu.memory_space<vmem>>
    %dma_start3A_40 = arith.constant 384 : i32
    %dma_start3A_41 = tpu.memref_slice %arg5[%dma_start3A_40] : memref<25600xi32, #tpu.memory_space<vmem>> -> memref<128xi32, #tpu.memory_space<vmem>>
    %dma_start3A_42 = arith.constant 0 : i32
    %dma_start3A_43 = arith.constant 0 : i32
    %dma_start3A_44 = tpu.memref_slice %arg2[%dma_start3A_42, %dma_start3A_43] : memref<100000x64xf32, #tpu.memory_space<hbm>> -> memref<100000x64xf32, #tpu.memory_space<hbm>>
    tpu.enqueue_indirect_dma source(%dma_start3A_44 : memref<100000x64xf32, #tpu.memory_space<hbm>>) target(%dma_start3A_39 : memref<128x64xf32, #tpu.memory_space<vmem>>) offsets(%dma_start3A_41 : memref<128xi32, #tpu.memory_space<vmem>>) semaphore(%arg8 : memref<!tpu.dma_semaphore, #tpu.memory_space<semaphore_mem>>)
    %dma_start3A_45 = arith.constant 0 : i32
    %dma_start3A_46 = arith.constant 512 : i32
    %dma_start3A_47 = arith.constant 0 : i32
    %dma_start3A_48 = tpu.memref_slice %arg6[%dma_start3A_45, %dma_start3A_46, %dma_start3A_47] : memref<2x640x64xf32, #tpu.memory_space<vmem>> -> memref<1x128x64xf32, #tpu.memory_space<vmem>>
    %dma_start3A_49 = tpu.memref_squeeze %dma_start3A_48 : memref<1x128x64xf32, #tpu.memory_space<vmem>> -> memref<128x64xf32, #tpu.memory_space<vmem>>
    %dma_start3A_50 = arith.constant 512 : i32
    %dma_start3A_51 = tpu.memref_slice %arg5[%dma_start3A_50] : memref<25600xi32, #tpu.memory_space<vmem>> -> memref<128xi32, #tpu.memory_space<vmem>>
    %dma_start3A_52 = arith.constant 0 : i32
    %dma_start3A_53 = arith.constant 0 : i32
    %dma_start3A_54 = tpu.memref_slice %arg2[%dma_start3A_52, %dma_start3A_53] : memref<100000x64xf32, #tpu.memory_space<hbm>> -> memref<100000x64xf32, #tpu.memory_space<hbm>>
    tpu.enqueue_indirect_dma source(%dma_start3A_54 : memref<100000x64xf32, #tpu.memory_space<hbm>>) target(%dma_start3A_49 : memref<128x64xf32, #tpu.memory_space<vmem>>) offsets(%dma_start3A_51 : memref<128xi32, #tpu.memory_space<vmem>>) semaphore(%arg8 : memref<!tpu.dma_semaphore, #tpu.memory_space<semaphore_mem>>)
    %dma_wait3A_55 = arith.constant 0 : i32
    %dma_wait3A_56 = arith.constant 0 : i32
    %dma_wait3A_57 = arith.constant 0 : i32
    %dma_wait3A_58 = tpu.memref_slice %arg6[%dma_wait3A_55, %dma_wait3A_56, %dma_wait3A_57] : memref<2x640x64xf32, #tpu.memory_space<vmem>> -> memref<1x640x64xf32, #tpu.memory_space<vmem>>
    %dma_wait3A_59 = tpu.memref_squeeze %dma_wait3A_58 : memref<1x640x64xf32, #tpu.memory_space<vmem>> -> memref<640x64xf32, #tpu.memory_space<vmem>>
    %dma_wait3A_60 = arith.constant 0 : i32
    %dma_wait3A_61 = arith.constant 0 : i32
    %dma_wait3A_62 = tpu.memref_slice %arg2[%dma_wait3A_60, %dma_wait3A_61] : memref<100000x64xf32, #tpu.memory_space<hbm>> -> memref<640x64xf32, #tpu.memory_space<hbm>>
    %dma_wait3A_63 = arith.constant 0 : i32
    %dma_wait3A_64 = arith.constant 0 : i32
    %dma_wait3A_65 = tpu.memref_slice %arg6[%dma_wait3A_55, %dma_wait3A_63, %dma_wait3A_64] : memref<2x640x64xf32, #tpu.memory_space<vmem>> -> memref<1x640x64xf32, #tpu.memory_space<vmem>>
    %dma_wait3A_66 = tpu.memref_squeeze %dma_wait3A_65 : memref<1x640x64xf32, #tpu.memory_space<vmem>> -> memref<640x64xf32, #tpu.memory_space<vmem>>
    %dma_wait3A_67 = arith.constant 0 : i32
    %dma_wait3A_68 = arith.constant 0 : i32
    %dma_wait3A_69 = tpu.memref_slice %arg2[%dma_wait3A_67, %dma_wait3A_68] : memref<100000x64xf32, #tpu.memory_space<hbm>> -> memref<640x64xf32, #tpu.memory_space<hbm>>
    tpu.wait_dma2 semaphore(%arg8 : memref<!tpu.dma_semaphore, #tpu.memory_space<semaphore_mem>>) src(%dma_wait3A_69 : memref<640x64xf32, #tpu.memory_space<hbm>>) dst(%dma_wait3A_66 : memref<640x64xf32, #tpu.memory_space<vmem>>)
    %add3A_70 = arith.constant 0 : i32
    %add3A_71 = arith.addi %mul3A_2, %add3A_70 : i32
    %dma_start3A_72 = arith.constant 0 : i32
    %dma_start3A_73 = arith.constant 0 : i32
    %dma_start3A_74 = arith.constant 0 : i32
    %dma_start3A_75 = tpu.memref_slice %arg6[%dma_start3A_72, %dma_start3A_73, %dma_start3A_74] : memref<2x640x64xf32, #tpu.memory_space<vmem>> -> memref<1x640x64xf32, #tpu.memory_space<vmem>>
    %dma_start3A_76 = tpu.memref_squeeze %dma_start3A_75 : memref<1x640x64xf32, #tpu.memory_space<vmem>> -> memref<640x64xf32, #tpu.memory_space<vmem>>
    %dma_start3A_77 = arith.constant 0 : i32
    %dma_start3A_78 = tpu.memref_slice %arg4[%add3A_71, %dma_start3A_77] : memref<819200x64xf32, #tpu.memory_space<hbm>> -> memref<640x64xf32, #tpu.memory_space<hbm>>
    %dma_start3A_79 = arith.constant 0 : i32
    %dma_start3A_80 = tpu.memref_slice %arg4[%add3A_71, %dma_start3A_79] : memref<819200x64xf32, #tpu.memory_space<hbm>> -> memref<640x64xf32, #tpu.memory_space<hbm>>
    %dma_start3A_81 = arith.constant 0 : i32
    %dma_start3A_82 = arith.constant 0 : i32
    %dma_start3A_83 = tpu.memref_slice %arg6[%dma_start3A_72, %dma_start3A_81, %dma_start3A_82] : memref<2x640x64xf32, #tpu.memory_space<vmem>> -> memref<1x640x64xf32, #tpu.memory_space<vmem>>
    %dma_start3A_84 = tpu.memref_squeeze %dma_start3A_83 : memref<1x640x64xf32, #tpu.memory_space<vmem>> -> memref<640x64xf32, #tpu.memory_space<vmem>>
    tpu.enqueue_dma source(%dma_start3A_84 : memref<640x64xf32, #tpu.memory_space<vmem>>) target(%dma_start3A_80 : memref<640x64xf32, #tpu.memory_space<hbm>>) target_semaphore(%arg9 : memref<!tpu.dma_semaphore, #tpu.memory_space<semaphore_mem>>)
    %dma_start3A_85 = arith.constant 1 : i32
    %dma_start3A_86 = arith.constant 0 : i32
    %dma_start3A_87 = arith.constant 0 : i32
    %dma_start3A_88 = tpu.memref_slice %arg6[%dma_start3A_85, %dma_start3A_86, %dma_start3A_87] : memref<2x640x64xf32, #tpu.memory_space<vmem>> -> memref<1x128x64xf32, #tpu.memory_space<vmem>>
    %dma_start3A_89 = tpu.memref_squeeze %dma_start3A_88 : memref<1x128x64xf32, #tpu.memory_space<vmem>> -> memref<128x64xf32, #tpu.memory_space<vmem>>
    %dma_start3A_90 = arith.constant 640 : i32
    %dma_start3A_91 = tpu.memref_slice %arg5[%dma_start3A_90] : memref<25600xi32, #tpu.memory_space<vmem>> -> memref<128xi32, #tpu.memory_space<vmem>>
    %dma_start3A_92 = arith.constant 0 : i32
    %dma_start3A_93 = arith.constant 0 : i32
    %dma_start3A_94 = tpu.memref_slice %arg2[%dma_start3A_92, %dma_start3A_93] : memref<100000x64xf32, #tpu.memory_space<hbm>> -> memref<100000x64xf32, #tpu.memory_space<hbm>>
    tpu.enqueue_indirect_dma source(%dma_start3A_94 : memref<100000x64xf32, #tpu.memory_space<hbm>>) target(%dma_start3A_89 : memref<128x64xf32, #tpu.memory_space<vmem>>) offsets(%dma_start3A_91 : memref<128xi32, #tpu.memory_space<vmem>>) semaphore(%arg8 : memref<!tpu.dma_semaphore, #tpu.memory_space<semaphore_mem>>)
    %dma_start3A_95 = arith.constant 1 : i32
    %dma_start3A_96 = arith.constant 128 : i32
    %dma_start3A_97 = arith.constant 0 : i32
    %dma_start3A_98 = tpu.memref_slice %arg6[%dma_start3A_95, %dma_start3A_96, %dma_start3A_97] : memref<2x640x64xf32, #tpu.memory_space<vmem>> -> memref<1x128x64xf32, #tpu.memory_space<vmem>>
    %dma_start3A_99 = tpu.memref_squeeze %dma_start3A_98 : memref<1x128x64xf32, #tpu.memory_space<vmem>> -> memref<128x64xf32, #tpu.memory_space<vmem>>
    %dma_start3A_100 = arith.constant 768 : i32
    %dma_start3A_101 = tpu.memref_slice %arg5[%dma_start3A_100] : memref<25600xi32, #tpu.memory_space<vmem>> -> memref<128xi32, #tpu.memory_space<vmem>>
    %dma_start3A_102 = arith.constant 0 : i32
    %dma_start3A_103 = arith.constant 0 : i32
    %dma_start3A_104 = tpu.memref_slice %arg2[%dma_start3A_102, %dma_start3A_103] : memref<100000x64xf32, #tpu.memory_space<hbm>> -> memref<100000x64xf32, #tpu.memory_space<hbm>>
    tpu.enqueue_indirect_dma source(%dma_start3A_104 : memref<100000x64xf32, #tpu.memory_space<hbm>>) target(%dma_start3A_99 : memref<128x64xf32, #tpu.memory_space<vmem>>) offsets(%dma_start3A_101 : memref<128xi32, #tpu.memory_space<vmem>>) semaphore(%arg8 : memref<!tpu.dma_semaphore, #tpu.memory_space<semaphore_mem>>)
    %dma_start3A_105 = arith.constant 1 : i32
    %dma_start3A_106 = arith.constant 256 : i32
    %dma_start3A_107 = arith.constant 0 : i32
    %dma_start3A_108 = tpu.memref_slice %arg6[%dma_start3A_105, %dma_start3A_106, %dma_start3A_107] : memref<2x640x64xf32, #tpu.memory_space<vmem>> -> memref<1x128x64xf32, #tpu.memory_space<vmem>>
    %dma_start3A_109 = tpu.memref_squeeze %dma_start3A_108 : memref<1x128x64xf32, #tpu.memory_space<vmem>> -> memref<128x64xf32, #tpu.memory_space<vmem>>
    %dma_start3A_110 = arith.constant 896 : i32
    %dma_start3A_111 = tpu.memref_slice %arg5[%dma_start3A_110] : memref<25600xi32, #tpu.memory_space<vmem>> -> memref<128xi32, #tpu.memory_space<vmem>>
    %dma_start3A_112 = arith.constant 0 : i32
    %dma_start3A_113 = arith.constant 0 : i32
    %dma_start3A_114 = tpu.memref_slice %arg2[%dma_start3A_112, %dma_start3A_113] : memref<100000x64xf32, #tpu.memory_space<hbm>> -> memref<100000x64xf32, #tpu.memory_space<hbm>>
    tpu.enqueue_indirect_dma source(%dma_start3A_114 : memref<100000x64xf32, #tpu.memory_space<hbm>>) target(%dma_start3A_109 : memref<128x64xf32, #tpu.memory_space<vmem>>) offsets(%dma_start3A_111 : memref<128xi32, #tpu.memory_space<vmem>>) semaphore(%arg8 : memref<!tpu.dma_semaphore, #tpu.memory_space<semaphore_mem>>)
    %dma_start3A_115 = arith.constant 1 : i32
    %dma_start3A_116 = arith.constant 384 : i32
    %dma_start3A_117 = arith.constant 0 : i32
    %dma_start3A_118 = tpu.memref_slice %arg6[%dma_start3A_115, %dma_start3A_116, %dma_start3A_117] : memref<2x640x64xf32, #tpu.memory_space<vmem>> -> memref<1x128x64xf32, #tpu.memory_space<vmem>>
    %dma_start3A_119 = tpu.memref_squeeze %dma_start3A_118 : memref<1x128x64xf32, #tpu.memory_space<vmem>> -> memref<128x64xf32, #tpu.memory_space<vmem>>
    %dma_start3A_120 = arith.constant 1024 : i32
    %dma_start3A_121 = tpu.memref_slice %arg5[%dma_start3A_120] : memref<25600xi32, #tpu.memory_space<vmem>> -> memref<128xi32, #tpu.memory_space<vmem>>
    %dma_start3A_122 = arith.constant 0 : i32
    %dma_start3A_123 = arith.constant 0 : i32
    %dma_start3A_124 = tpu.memref_slice %arg2[%dma_start3A_122, %dma_start3A_123] : memref<100000x64xf32, #tpu.memory_space<hbm>> -> memref<100000x64xf32, #tpu.memory_space<hbm>>
    tpu.enqueue_indirect_dma source(%dma_start3A_124 : memref<100000x64xf32, #tpu.memory_space<hbm>>) target(%dma_start3A_119 : memref<128x64xf32, #tpu.memory_space<vmem>>) offsets(%dma_start3A_121 : memref<128xi32, #tpu.memory_space<vmem>>) semaphore(%arg8 : memref<!tpu.dma_semaphore, #tpu.memory_space<semaphore_mem>>)
    %dma_start3A_125 = arith.constant 1 : i32
    %dma_start3A_126 = arith.constant 512 : i32
    %dma_start3A_127 = arith.constant 0 : i32
    %dma_start3A_128 = tpu.memref_slice %arg6[%dma_start3A_125, %dma_start3A_126, %dma_start3A_127] : memref<2x640x64xf32, #tpu.memory_space<vmem>> -> memref<1x128x64xf32, #tpu.memory_space<vmem>>
    %dma_start3A_129 = tpu.memref_squeeze %dma_start3A_128 : memref<1x128x64xf32, #tpu.memory_space<vmem>> -> memref<128x64xf32, #tpu.memory_space<vmem>>
    %dma_start3A_130 = arith.constant 1152 : i32
    %dma_start3A_131 = tpu.memref_slice %arg5[%dma_start3A_130] : memref<25600xi32, #tpu.memory_space<vmem>> -> memref<128xi32, #tpu.memory_space<vmem>>
    %dma_start3A_132 = arith.constant 0 : i32
    %dma_start3A_133 = arith.constant 0 : i32
    %dma_start3A_134 = tpu.memref_slice %arg2[%dma_start3A_132, %dma_start3A_133] : memref<100000x64xf32, #tpu.memory_space<hbm>> -> memref<100000x64xf32, #tpu.memory_space<hbm>>
    tpu.enqueue_indirect_dma source(%dma_start3A_134 : memref<100000x64xf32, #tpu.memory_space<hbm>>) target(%dma_start3A_129 : memref<128x64xf32, #tpu.memory_space<vmem>>) offsets(%dma_start3A_131 : memref<128xi32, #tpu.memory_space<vmem>>) semaphore(%arg8 : memref<!tpu.dma_semaphore, #tpu.memory_space<semaphore_mem>>)
    %scan3A = arith.constant 0 : i32
    %scan3A_135 = arith.constant 19 : i32
    %scan3A_136 = arith.addi %scan3A, %scan3A_135 : i32
    %scan3A_137 = arith.constant 1 : i32
    scf.for %scan3A_199 = %scan3A to %scan3A_136 step %scan3A_137  : i32 {
      %mul3A_200 = arith.constant 2 : i32
      %mul3A_201 = arith.muli %scan3A_199, %mul3A_200 : i32
      %add3A_202 = arith.constant 0 : i32
      %add3A_203 = arith.addi %add3A_202, %mul3A_201 : i32
      %add3A_204 = arith.constant 1 : i32
      %add3A_205 = arith.addi %add3A_203, %add3A_204 : i32
      %add3A_206 = arith.constant 0 : i32
      %add3A_207 = arith.addi %add3A_205, %add3A_206 : i32
      %dma_wait3A_208 = arith.constant 1 : i32
      %dma_wait3A_209 = arith.constant 0 : i32
      %dma_wait3A_210 = arith.constant 0 : i32
      %dma_wait3A_211 = tpu.memref_slice %arg6[%dma_wait3A_208, %dma_wait3A_209, %dma_wait3A_210] : memref<2x640x64xf32, #tpu.memory_space<vmem>> -> memref<1x640x64xf32, #tpu.memory_space<vmem>>
      %dma_wait3A_212 = tpu.memref_squeeze %dma_wait3A_211 : memref<1x640x64xf32, #tpu.memory_space<vmem>> -> memref<640x64xf32, #tpu.memory_space<vmem>>
      %dma_wait3A_213 = arith.constant 0 : i32
      %dma_wait3A_214 = arith.constant 0 : i32
      %dma_wait3A_215 = tpu.memref_slice %arg2[%dma_wait3A_213, %dma_wait3A_214] : memref<100000x64xf32, #tpu.memory_space<hbm>> -> memref<640x64xf32, #tpu.memory_space<hbm>>
      %dma_wait3A_216 = arith.constant 0 : i32
      %dma_wait3A_217 = arith.constant 0 : i32
      %dma_wait3A_218 = tpu.memref_slice %arg6[%dma_wait3A_208, %dma_wait3A_216, %dma_wait3A_217] : memref<2x640x64xf32, #tpu.memory_space<vmem>> -> memref<1x640x64xf32, #tpu.memory_space<vmem>>
      %dma_wait3A_219 = tpu.memref_squeeze %dma_wait3A_218 : memref<1x640x64xf32, #tpu.memory_space<vmem>> -> memref<640x64xf32, #tpu.memory_space<vmem>>
      %dma_wait3A_220 = arith.constant 0 : i32
      %dma_wait3A_221 = arith.constant 0 : i32
      %dma_wait3A_222 = tpu.memref_slice %arg2[%dma_wait3A_220, %dma_wait3A_221] : memref<100000x64xf32, #tpu.memory_space<hbm>> -> memref<640x64xf32, #tpu.memory_space<hbm>>
      tpu.wait_dma2 semaphore(%arg8 : memref<!tpu.dma_semaphore, #tpu.memory_space<semaphore_mem>>) src(%dma_wait3A_222 : memref<640x64xf32, #tpu.memory_space<hbm>>) dst(%dma_wait3A_219 : memref<640x64xf32, #tpu.memory_space<vmem>>)
      %mul3A_223 = arith.constant 640 : i32
      %mul3A_224 = arith.muli %add3A_207, %mul3A_223 : i32
      %add3A_225 = arith.addi %mul3A_2, %mul3A_224 : i32
      %dma_start3A_226 = arith.constant 1 : i32
      %dma_start3A_227 = arith.constant 0 : i32
      %dma_start3A_228 = arith.constant 0 : i32
      %dma_start3A_229 = tpu.memref_slice %arg6[%dma_start3A_226, %dma_start3A_227, %dma_start3A_228] : memref<2x640x64xf32, #tpu.memory_space<vmem>> -> memref<1x640x64xf32, #tpu.memory_space<vmem>>
      %dma_start3A_230 = tpu.memref_squeeze %dma_start3A_229 : memref<1x640x64xf32, #tpu.memory_space<vmem>> -> memref<640x64xf32, #tpu.memory_space<vmem>>
      %dma_start3A_231 = arith.constant 0 : i32
      %dma_start3A_232 = tpu.memref_slice %arg4[%add3A_225, %dma_start3A_231] : memref<819200x64xf32, #tpu.memory_space<hbm>> -> memref<640x64xf32, #tpu.memory_space<hbm>>
      %dma_start3A_233 = arith.constant 0 : i32
      %dma_start3A_234 = tpu.memref_slice %arg4[%add3A_225, %dma_start3A_233] : memref<819200x64xf32, #tpu.memory_space<hbm>> -> memref<640x64xf32, #tpu.memory_space<hbm>>
      %dma_start3A_235 = arith.constant 0 : i32
      %dma_start3A_236 = arith.constant 0 : i32
      %dma_start3A_237 = tpu.memref_slice %arg6[%dma_start3A_226, %dma_start3A_235, %dma_start3A_236] : memref<2x640x64xf32, #tpu.memory_space<vmem>> -> memref<1x640x64xf32, #tpu.memory_space<vmem>>
      %dma_start3A_238 = tpu.memref_squeeze %dma_start3A_237 : memref<1x640x64xf32, #tpu.memory_space<vmem>> -> memref<640x64xf32, #tpu.memory_space<vmem>>
      tpu.enqueue_dma source(%dma_start3A_238 : memref<640x64xf32, #tpu.memory_space<vmem>>) target(%dma_start3A_234 : memref<640x64xf32, #tpu.memory_space<hbm>>) target_semaphore(%arg9 : memref<!tpu.dma_semaphore, #tpu.memory_space<semaphore_mem>>)
      %dma_wait3A_239 = arith.constant 0 : i32
      %dma_wait3A_240 = arith.constant 0 : i32
      %dma_wait3A_241 = arith.constant 0 : i32
      %dma_wait3A_242 = tpu.memref_slice %arg6[%dma_wait3A_239, %dma_wait3A_240, %dma_wait3A_241] : memref<2x640x64xf32, #tpu.memory_space<vmem>> -> memref<1x640x64xf32, #tpu.memory_space<vmem>>
      %dma_wait3A_243 = tpu.memref_squeeze %dma_wait3A_242 : memref<1x640x64xf32, #tpu.memory_space<vmem>> -> memref<640x64xf32, #tpu.memory_space<vmem>>
      %dma_wait3A_244 = arith.constant 0 : i32
      %dma_wait3A_245 = arith.constant 0 : i32
      %dma_wait3A_246 = tpu.memref_slice %arg2[%dma_wait3A_244, %dma_wait3A_245] : memref<100000x64xf32, #tpu.memory_space<hbm>> -> memref<640x64xf32, #tpu.memory_space<hbm>>
      %dma_wait3A_247 = arith.constant 0 : i32
      %dma_wait3A_248 = arith.constant 0 : i32
      %dma_wait3A_249 = tpu.memref_slice %arg6[%dma_wait3A_239, %dma_wait3A_247, %dma_wait3A_248] : memref<2x640x64xf32, #tpu.memory_space<vmem>> -> memref<1x640x64xf32, #tpu.memory_space<vmem>>
      %dma_wait3A_250 = tpu.memref_squeeze %dma_wait3A_249 : memref<1x640x64xf32, #tpu.memory_space<vmem>> -> memref<640x64xf32, #tpu.memory_space<vmem>>
      %dma_wait3A_251 = arith.constant 0 : i32
      %dma_wait3A_252 = arith.constant 0 : i32
      %dma_wait3A_253 = tpu.memref_slice %arg2[%dma_wait3A_251, %dma_wait3A_252] : memref<100000x64xf32, #tpu.memory_space<hbm>> -> memref<640x64xf32, #tpu.memory_space<hbm>>
      tpu.wait_dma2 semaphore(%arg9 : memref<!tpu.dma_semaphore, #tpu.memory_space<semaphore_mem>>) src(%dma_wait3A_253 : memref<640x64xf32, #tpu.memory_space<hbm>>) dst(%dma_wait3A_250 : memref<640x64xf32, #tpu.memory_space<vmem>>)
      %add3A_254 = arith.constant 1 : i32
      %add3A_255 = arith.addi %add3A_207, %add3A_254 : i32
      %mul3A_256 = arith.constant 640 : i32
      %mul3A_257 = arith.muli %add3A_255, %mul3A_256 : i32
      %add3A_258 = arith.constant 0 : i32
      %add3A_259 = arith.addi %mul3A_257, %add3A_258 : i32
      %dma_start3A_260 = arith.constant 0 : i32
      %dma_start3A_261 = arith.constant 0 : i32
      %dma_start3A_262 = arith.constant 0 : i32
      %dma_start3A_263 = tpu.memref_slice %arg6[%dma_start3A_260, %dma_start3A_261, %dma_start3A_262] : memref<2x640x64xf32, #tpu.memory_space<vmem>> -> memref<1x128x64xf32, #tpu.memory_space<vmem>>
      %dma_start3A_264 = tpu.memref_squeeze %dma_start3A_263 : memref<1x128x64xf32, #tpu.memory_space<vmem>> -> memref<128x64xf32, #tpu.memory_space<vmem>>
      %dma_start3A_265 = tpu.memref_slice %arg5[%add3A_259] : memref<25600xi32, #tpu.memory_space<vmem>> -> memref<128xi32, #tpu.memory_space<vmem>>
      %dma_start3A_266 = arith.constant 0 : i32
      %dma_start3A_267 = arith.constant 0 : i32
      %dma_start3A_268 = tpu.memref_slice %arg2[%dma_start3A_266, %dma_start3A_267] : memref<100000x64xf32, #tpu.memory_space<hbm>> -> memref<100000x64xf32, #tpu.memory_space<hbm>>
      tpu.enqueue_indirect_dma source(%dma_start3A_268 : memref<100000x64xf32, #tpu.memory_space<hbm>>) target(%dma_start3A_264 : memref<128x64xf32, #tpu.memory_space<vmem>>) offsets(%dma_start3A_265 : memref<128xi32, #tpu.memory_space<vmem>>) semaphore(%arg8 : memref<!tpu.dma_semaphore, #tpu.memory_space<semaphore_mem>>)
      %mul3A_269 = arith.constant 640 : i32
      %mul3A_270 = arith.muli %add3A_255, %mul3A_269 : i32
      %add3A_271 = arith.constant 128 : i32
      %add3A_272 = arith.addi %mul3A_270, %add3A_271 : i32
      %dma_start3A_273 = arith.constant 0 : i32
      %dma_start3A_274 = arith.constant 128 : i32
      %dma_start3A_275 = arith.constant 0 : i32
      %dma_start3A_276 = tpu.memref_slice %arg6[%dma_start3A_273, %dma_start3A_274, %dma_start3A_275] : memref<2x640x64xf32, #tpu.memory_space<vmem>> -> memref<1x128x64xf32, #tpu.memory_space<vmem>>
      %dma_start3A_277 = tpu.memref_squeeze %dma_start3A_276 : memref<1x128x64xf32, #tpu.memory_space<vmem>> -> memref<128x64xf32, #tpu.memory_space<vmem>>
      %dma_start3A_278 = tpu.memref_slice %arg5[%add3A_272] : memref<25600xi32, #tpu.memory_space<vmem>> -> memref<128xi32, #tpu.memory_space<vmem>>
      %dma_start3A_279 = arith.constant 0 : i32
      %dma_start3A_280 = arith.constant 0 : i32
      %dma_start3A_281 = tpu.memref_slice %arg2[%dma_start3A_279, %dma_start3A_280] : memref<100000x64xf32, #tpu.memory_space<hbm>> -> memref<100000x64xf32, #tpu.memory_space<hbm>>
      tpu.enqueue_indirect_dma source(%dma_start3A_281 : memref<100000x64xf32, #tpu.memory_space<hbm>>) target(%dma_start3A_277 : memref<128x64xf32, #tpu.memory_space<vmem>>) offsets(%dma_start3A_278 : memref<128xi32, #tpu.memory_space<vmem>>) semaphore(%arg8 : memref<!tpu.dma_semaphore, #tpu.memory_space<semaphore_mem>>)
      %mul3A_282 = arith.constant 640 : i32
      %mul3A_283 = arith.muli %add3A_255, %mul3A_282 : i32
      %add3A_284 = arith.constant 256 : i32
      %add3A_285 = arith.addi %mul3A_283, %add3A_284 : i32
      %dma_start3A_286 = arith.constant 0 : i32
      %dma_start3A_287 = arith.constant 256 : i32
      %dma_start3A_288 = arith.constant 0 : i32
      %dma_start3A_289 = tpu.memref_slice %arg6[%dma_start3A_286, %dma_start3A_287, %dma_start3A_288] : memref<2x640x64xf32, #tpu.memory_space<vmem>> -> memref<1x128x64xf32, #tpu.memory_space<vmem>>
      %dma_start3A_290 = tpu.memref_squeeze %dma_start3A_289 : memref<1x128x64xf32, #tpu.memory_space<vmem>> -> memref<128x64xf32, #tpu.memory_space<vmem>>
      %dma_start3A_291 = tpu.memref_slice %arg5[%add3A_285] : memref<25600xi32, #tpu.memory_space<vmem>> -> memref<128xi32, #tpu.memory_space<vmem>>
      %dma_start3A_292 = arith.constant 0 : i32
      %dma_start3A_293 = arith.constant 0 : i32
      %dma_start3A_294 = tpu.memref_slice %arg2[%dma_start3A_292, %dma_start3A_293] : memref<100000x64xf32, #tpu.memory_space<hbm>> -> memref<100000x64xf32, #tpu.memory_space<hbm>>
      tpu.enqueue_indirect_dma source(%dma_start3A_294 : memref<100000x64xf32, #tpu.memory_space<hbm>>) target(%dma_start3A_290 : memref<128x64xf32, #tpu.memory_space<vmem>>) offsets(%dma_start3A_291 : memref<128xi32, #tpu.memory_space<vmem>>) semaphore(%arg8 : memref<!tpu.dma_semaphore, #tpu.memory_space<semaphore_mem>>)
      %mul3A_295 = arith.constant 640 : i32
      %mul3A_296 = arith.muli %add3A_255, %mul3A_295 : i32
      %add3A_297 = arith.constant 384 : i32
      %add3A_298 = arith.addi %mul3A_296, %add3A_297 : i32
      %dma_start3A_299 = arith.constant 0 : i32
      %dma_start3A_300 = arith.constant 384 : i32
      %dma_start3A_301 = arith.constant 0 : i32
      %dma_start3A_302 = tpu.memref_slice %arg6[%dma_start3A_299, %dma_start3A_300, %dma_start3A_301] : memref<2x640x64xf32, #tpu.memory_space<vmem>> -> memref<1x128x64xf32, #tpu.memory_space<vmem>>
      %dma_start3A_303 = tpu.memref_squeeze %dma_start3A_302 : memref<1x128x64xf32, #tpu.memory_space<vmem>> -> memref<128x64xf32, #tpu.memory_space<vmem>>
      %dma_start3A_304 = tpu.memref_slice %arg5[%add3A_298] : memref<25600xi32, #tpu.memory_space<vmem>> -> memref<128xi32, #tpu.memory_space<vmem>>
      %dma_start3A_305 = arith.constant 0 : i32
      %dma_start3A_306 = arith.constant 0 : i32
      %dma_start3A_307 = tpu.memref_slice %arg2[%dma_start3A_305, %dma_start3A_306] : memref<100000x64xf32, #tpu.memory_space<hbm>> -> memref<100000x64xf32, #tpu.memory_space<hbm>>
      tpu.enqueue_indirect_dma source(%dma_start3A_307 : memref<100000x64xf32, #tpu.memory_space<hbm>>) target(%dma_start3A_303 : memref<128x64xf32, #tpu.memory_space<vmem>>) offsets(%dma_start3A_304 : memref<128xi32, #tpu.memory_space<vmem>>) semaphore(%arg8 : memref<!tpu.dma_semaphore, #tpu.memory_space<semaphore_mem>>)
      %mul3A_308 = arith.constant 640 : i32
      %mul3A_309 = arith.muli %add3A_255, %mul3A_308 : i32
      %add3A_310 = arith.constant 512 : i32
      %add3A_311 = arith.addi %mul3A_309, %add3A_310 : i32
      %dma_start3A_312 = arith.constant 0 : i32
      %dma_start3A_313 = arith.constant 512 : i32
      %dma_start3A_314 = arith.constant 0 : i32
      %dma_start3A_315 = tpu.memref_slice %arg6[%dma_start3A_312, %dma_start3A_313, %dma_start3A_314] : memref<2x640x64xf32, #tpu.memory_space<vmem>> -> memref<1x128x64xf32, #tpu.memory_space<vmem>>
      %dma_start3A_316 = tpu.memref_squeeze %dma_start3A_315 : memref<1x128x64xf32, #tpu.memory_space<vmem>> -> memref<128x64xf32, #tpu.memory_space<vmem>>
      %dma_start3A_317 = tpu.memref_slice %arg5[%add3A_311] : memref<25600xi32, #tpu.memory_space<vmem>> -> memref<128xi32, #tpu.memory_space<vmem>>
      %dma_start3A_318 = arith.constant 0 : i32
      %dma_start3A_319 = arith.constant 0 : i32
      %dma_start3A_320 = tpu.memref_slice %arg2[%dma_start3A_318, %dma_start3A_319] : memref<100000x64xf32, #tpu.memory_space<hbm>> -> memref<100000x64xf32, #tpu.memory_space<hbm>>
      tpu.enqueue_indirect_dma source(%dma_start3A_320 : memref<100000x64xf32, #tpu.memory_space<hbm>>) target(%dma_start3A_316 : memref<128x64xf32, #tpu.memory_space<vmem>>) offsets(%dma_start3A_317 : memref<128xi32, #tpu.memory_space<vmem>>) semaphore(%arg8 : memref<!tpu.dma_semaphore, #tpu.memory_space<semaphore_mem>>)
      %add3A_321 = arith.constant 1 : i32
      %add3A_322 = arith.addi %add3A_203, %add3A_321 : i32
      %add3A_323 = arith.constant 1 : i32
      %add3A_324 = arith.addi %add3A_322, %add3A_323 : i32
      %dma_wait3A_325 = arith.constant 0 : i32
      %dma_wait3A_326 = arith.constant 0 : i32
      %dma_wait3A_327 = arith.constant 0 : i32
      %dma_wait3A_328 = tpu.memref_slice %arg6[%dma_wait3A_325, %dma_wait3A_326, %dma_wait3A_327] : memref<2x640x64xf32, #tpu.memory_space<vmem>> -> memref<1x640x64xf32, #tpu.memory_space<vmem>>
      %dma_wait3A_329 = tpu.memref_squeeze %dma_wait3A_328 : memref<1x640x64xf32, #tpu.memory_space<vmem>> -> memref<640x64xf32, #tpu.memory_space<vmem>>
      %dma_wait3A_330 = arith.constant 0 : i32
      %dma_wait3A_331 = arith.constant 0 : i32
      %dma_wait3A_332 = tpu.memref_slice %arg2[%dma_wait3A_330, %dma_wait3A_331] : memref<100000x64xf32, #tpu.memory_space<hbm>> -> memref<640x64xf32, #tpu.memory_space<hbm>>
      %dma_wait3A_333 = arith.constant 0 : i32
      %dma_wait3A_334 = arith.constant 0 : i32
      %dma_wait3A_335 = tpu.memref_slice %arg6[%dma_wait3A_325, %dma_wait3A_333, %dma_wait3A_334] : memref<2x640x64xf32, #tpu.memory_space<vmem>> -> memref<1x640x64xf32, #tpu.memory_space<vmem>>
      %dma_wait3A_336 = tpu.memref_squeeze %dma_wait3A_335 : memref<1x640x64xf32, #tpu.memory_space<vmem>> -> memref<640x64xf32, #tpu.memory_space<vmem>>
      %dma_wait3A_337 = arith.constant 0 : i32
      %dma_wait3A_338 = arith.constant 0 : i32
      %dma_wait3A_339 = tpu.memref_slice %arg2[%dma_wait3A_337, %dma_wait3A_338] : memref<100000x64xf32, #tpu.memory_space<hbm>> -> memref<640x64xf32, #tpu.memory_space<hbm>>
      tpu.wait_dma2 semaphore(%arg8 : memref<!tpu.dma_semaphore, #tpu.memory_space<semaphore_mem>>) src(%dma_wait3A_339 : memref<640x64xf32, #tpu.memory_space<hbm>>) dst(%dma_wait3A_336 : memref<640x64xf32, #tpu.memory_space<vmem>>)
      %mul3A_340 = arith.constant 640 : i32
      %mul3A_341 = arith.muli %add3A_324, %mul3A_340 : i32
      %add3A_342 = arith.addi %mul3A_2, %mul3A_341 : i32
      %dma_start3A_343 = arith.constant 0 : i32
      %dma_start3A_344 = arith.constant 0 : i32
      %dma_start3A_345 = arith.constant 0 : i32
      %dma_start3A_346 = tpu.memref_slice %arg6[%dma_start3A_343, %dma_start3A_344, %dma_start3A_345] : memref<2x640x64xf32, #tpu.memory_space<vmem>> -> memref<1x640x64xf32, #tpu.memory_space<vmem>>
      %dma_start3A_347 = tpu.memref_squeeze %dma_start3A_346 : memref<1x640x64xf32, #tpu.memory_space<vmem>> -> memref<640x64xf32, #tpu.memory_space<vmem>>
      %dma_start3A_348 = arith.constant 0 : i32
      %dma_start3A_349 = tpu.memref_slice %arg4[%add3A_342, %dma_start3A_348] : memref<819200x64xf32, #tpu.memory_space<hbm>> -> memref<640x64xf32, #tpu.memory_space<hbm>>
      %dma_start3A_350 = arith.constant 0 : i32
      %dma_start3A_351 = tpu.memref_slice %arg4[%add3A_342, %dma_start3A_350] : memref<819200x64xf32, #tpu.memory_space<hbm>> -> memref<640x64xf32, #tpu.memory_space<hbm>>
      %dma_start3A_352 = arith.constant 0 : i32
      %dma_start3A_353 = arith.constant 0 : i32
      %dma_start3A_354 = tpu.memref_slice %arg6[%dma_start3A_343, %dma_start3A_352, %dma_start3A_353] : memref<2x640x64xf32, #tpu.memory_space<vmem>> -> memref<1x640x64xf32, #tpu.memory_space<vmem>>
      %dma_start3A_355 = tpu.memref_squeeze %dma_start3A_354 : memref<1x640x64xf32, #tpu.memory_space<vmem>> -> memref<640x64xf32, #tpu.memory_space<vmem>>
      tpu.enqueue_dma source(%dma_start3A_355 : memref<640x64xf32, #tpu.memory_space<vmem>>) target(%dma_start3A_351 : memref<640x64xf32, #tpu.memory_space<hbm>>) target_semaphore(%arg9 : memref<!tpu.dma_semaphore, #tpu.memory_space<semaphore_mem>>)
      %dma_wait3A_356 = arith.constant 1 : i32
      %dma_wait3A_357 = arith.constant 0 : i32
      %dma_wait3A_358 = arith.constant 0 : i32
      %dma_wait3A_359 = tpu.memref_slice %arg6[%dma_wait3A_356, %dma_wait3A_357, %dma_wait3A_358] : memref<2x640x64xf32, #tpu.memory_space<vmem>> -> memref<1x640x64xf32, #tpu.memory_space<vmem>>
      %dma_wait3A_360 = tpu.memref_squeeze %dma_wait3A_359 : memref<1x640x64xf32, #tpu.memory_space<vmem>> -> memref<640x64xf32, #tpu.memory_space<vmem>>
      %dma_wait3A_361 = arith.constant 0 : i32
      %dma_wait3A_362 = arith.constant 0 : i32
      %dma_wait3A_363 = tpu.memref_slice %arg2[%dma_wait3A_361, %dma_wait3A_362] : memref<100000x64xf32, #tpu.memory_space<hbm>> -> memref<640x64xf32, #tpu.memory_space<hbm>>
      %dma_wait3A_364 = arith.constant 0 : i32
      %dma_wait3A_365 = arith.constant 0 : i32
      %dma_wait3A_366 = tpu.memref_slice %arg6[%dma_wait3A_356, %dma_wait3A_364, %dma_wait3A_365] : memref<2x640x64xf32, #tpu.memory_space<vmem>> -> memref<1x640x64xf32, #tpu.memory_space<vmem>>
      %dma_wait3A_367 = tpu.memref_squeeze %dma_wait3A_366 : memref<1x640x64xf32, #tpu.memory_space<vmem>> -> memref<640x64xf32, #tpu.memory_space<vmem>>
      %dma_wait3A_368 = arith.constant 0 : i32
      %dma_wait3A_369 = arith.constant 0 : i32
      %dma_wait3A_370 = tpu.memref_slice %arg2[%dma_wait3A_368, %dma_wait3A_369] : memref<100000x64xf32, #tpu.memory_space<hbm>> -> memref<640x64xf32, #tpu.memory_space<hbm>>
      tpu.wait_dma2 semaphore(%arg9 : memref<!tpu.dma_semaphore, #tpu.memory_space<semaphore_mem>>) src(%dma_wait3A_370 : memref<640x64xf32, #tpu.memory_space<hbm>>) dst(%dma_wait3A_367 : memref<640x64xf32, #tpu.memory_space<vmem>>)
      %add3A_371 = arith.constant 1 : i32
      %add3A_372 = arith.addi %add3A_324, %add3A_371 : i32
      %mul3A_373 = arith.constant 640 : i32
      %mul3A_374 = arith.muli %add3A_372, %mul3A_373 : i32
      %add3A_375 = arith.constant 0 : i32
      %add3A_376 = arith.addi %mul3A_374, %add3A_375 : i32
      %dma_start3A_377 = arith.constant 1 : i32
      %dma_start3A_378 = arith.constant 0 : i32
      %dma_start3A_379 = arith.constant 0 : i32
      %dma_start3A_380 = tpu.memref_slice %arg6[%dma_start3A_377, %dma_start3A_378, %dma_start3A_379] : memref<2x640x64xf32, #tpu.memory_space<vmem>> -> memref<1x128x64xf32, #tpu.memory_space<vmem>>
      %dma_start3A_381 = tpu.memref_squeeze %dma_start3A_380 : memref<1x128x64xf32, #tpu.memory_space<vmem>> -> memref<128x64xf32, #tpu.memory_space<vmem>>
      %dma_start3A_382 = tpu.memref_slice %arg5[%add3A_376] : memref<25600xi32, #tpu.memory_space<vmem>> -> memref<128xi32, #tpu.memory_space<vmem>>
      %dma_start3A_383 = arith.constant 0 : i32
      %dma_start3A_384 = arith.constant 0 : i32
      %dma_start3A_385 = tpu.memref_slice %arg2[%dma_start3A_383, %dma_start3A_384] : memref<100000x64xf32, #tpu.memory_space<hbm>> -> memref<100000x64xf32, #tpu.memory_space<hbm>>
      tpu.enqueue_indirect_dma source(%dma_start3A_385 : memref<100000x64xf32, #tpu.memory_space<hbm>>) target(%dma_start3A_381 : memref<128x64xf32, #tpu.memory_space<vmem>>) offsets(%dma_start3A_382 : memref<128xi32, #tpu.memory_space<vmem>>) semaphore(%arg8 : memref<!tpu.dma_semaphore, #tpu.memory_space<semaphore_mem>>)
      %mul3A_386 = arith.constant 640 : i32
      %mul3A_387 = arith.muli %add3A_372, %mul3A_386 : i32
      %add3A_388 = arith.constant 128 : i32
      %add3A_389 = arith.addi %mul3A_387, %add3A_388 : i32
      %dma_start3A_390 = arith.constant 1 : i32
      %dma_start3A_391 = arith.constant 128 : i32
      %dma_start3A_392 = arith.constant 0 : i32
      %dma_start3A_393 = tpu.memref_slice %arg6[%dma_start3A_390, %dma_start3A_391, %dma_start3A_392] : memref<2x640x64xf32, #tpu.memory_space<vmem>> -> memref<1x128x64xf32, #tpu.memory_space<vmem>>
      %dma_start3A_394 = tpu.memref_squeeze %dma_start3A_393 : memref<1x128x64xf32, #tpu.memory_space<vmem>> -> memref<128x64xf32, #tpu.memory_space<vmem>>
      %dma_start3A_395 = tpu.memref_slice %arg5[%add3A_389] : memref<25600xi32, #tpu.memory_space<vmem>> -> memref<128xi32, #tpu.memory_space<vmem>>
      %dma_start3A_396 = arith.constant 0 : i32
      %dma_start3A_397 = arith.constant 0 : i32
      %dma_start3A_398 = tpu.memref_slice %arg2[%dma_start3A_396, %dma_start3A_397] : memref<100000x64xf32, #tpu.memory_space<hbm>> -> memref<100000x64xf32, #tpu.memory_space<hbm>>
      tpu.enqueue_indirect_dma source(%dma_start3A_398 : memref<100000x64xf32, #tpu.memory_space<hbm>>) target(%dma_start3A_394 : memref<128x64xf32, #tpu.memory_space<vmem>>) offsets(%dma_start3A_395 : memref<128xi32, #tpu.memory_space<vmem>>) semaphore(%arg8 : memref<!tpu.dma_semaphore, #tpu.memory_space<semaphore_mem>>)
      %mul3A_399 = arith.constant 640 : i32
      %mul3A_400 = arith.muli %add3A_372, %mul3A_399 : i32
      %add3A_401 = arith.constant 256 : i32
      %add3A_402 = arith.addi %mul3A_400, %add3A_401 : i32
      %dma_start3A_403 = arith.constant 1 : i32
      %dma_start3A_404 = arith.constant 256 : i32
      %dma_start3A_405 = arith.constant 0 : i32
      %dma_start3A_406 = tpu.memref_slice %arg6[%dma_start3A_403, %dma_start3A_404, %dma_start3A_405] : memref<2x640x64xf32, #tpu.memory_space<vmem>> -> memref<1x128x64xf32, #tpu.memory_space<vmem>>
      %dma_start3A_407 = tpu.memref_squeeze %dma_start3A_406 : memref<1x128x64xf32, #tpu.memory_space<vmem>> -> memref<128x64xf32, #tpu.memory_space<vmem>>
      %dma_start3A_408 = tpu.memref_slice %arg5[%add3A_402] : memref<25600xi32, #tpu.memory_space<vmem>> -> memref<128xi32, #tpu.memory_space<vmem>>
      %dma_start3A_409 = arith.constant 0 : i32
      %dma_start3A_410 = arith.constant 0 : i32
      %dma_start3A_411 = tpu.memref_slice %arg2[%dma_start3A_409, %dma_start3A_410] : memref<100000x64xf32, #tpu.memory_space<hbm>> -> memref<100000x64xf32, #tpu.memory_space<hbm>>
      tpu.enqueue_indirect_dma source(%dma_start3A_411 : memref<100000x64xf32, #tpu.memory_space<hbm>>) target(%dma_start3A_407 : memref<128x64xf32, #tpu.memory_space<vmem>>) offsets(%dma_start3A_408 : memref<128xi32, #tpu.memory_space<vmem>>) semaphore(%arg8 : memref<!tpu.dma_semaphore, #tpu.memory_space<semaphore_mem>>)
      %mul3A_412 = arith.constant 640 : i32
      %mul3A_413 = arith.muli %add3A_372, %mul3A_412 : i32
      %add3A_414 = arith.constant 384 : i32
      %add3A_415 = arith.addi %mul3A_413, %add3A_414 : i32
      %dma_start3A_416 = arith.constant 1 : i32
      %dma_start3A_417 = arith.constant 384 : i32
      %dma_start3A_418 = arith.constant 0 : i32
      %dma_start3A_419 = tpu.memref_slice %arg6[%dma_start3A_416, %dma_start3A_417, %dma_start3A_418] : memref<2x640x64xf32, #tpu.memory_space<vmem>> -> memref<1x128x64xf32, #tpu.memory_space<vmem>>
      %dma_start3A_420 = tpu.memref_squeeze %dma_start3A_419 : memref<1x128x64xf32, #tpu.memory_space<vmem>> -> memref<128x64xf32, #tpu.memory_space<vmem>>
      %dma_start3A_421 = tpu.memref_slice %arg5[%add3A_415] : memref<25600xi32, #tpu.memory_space<vmem>> -> memref<128xi32, #tpu.memory_space<vmem>>
      %dma_start3A_422 = arith.constant 0 : i32
      %dma_start3A_423 = arith.constant 0 : i32
      %dma_start3A_424 = tpu.memref_slice %arg2[%dma_start3A_422, %dma_start3A_423] : memref<100000x64xf32, #tpu.memory_space<hbm>> -> memref<100000x64xf32, #tpu.memory_space<hbm>>
      tpu.enqueue_indirect_dma source(%dma_start3A_424 : memref<100000x64xf32, #tpu.memory_space<hbm>>) target(%dma_start3A_420 : memref<128x64xf32, #tpu.memory_space<vmem>>) offsets(%dma_start3A_421 : memref<128xi32, #tpu.memory_space<vmem>>) semaphore(%arg8 : memref<!tpu.dma_semaphore, #tpu.memory_space<semaphore_mem>>)
      %mul3A_425 = arith.constant 640 : i32
      %mul3A_426 = arith.muli %add3A_372, %mul3A_425 : i32
      %add3A_427 = arith.constant 512 : i32
      %add3A_428 = arith.addi %mul3A_426, %add3A_427 : i32
      %dma_start3A_429 = arith.constant 1 : i32
      %dma_start3A_430 = arith.constant 512 : i32
      %dma_start3A_431 = arith.constant 0 : i32
      %dma_start3A_432 = tpu.memref_slice %arg6[%dma_start3A_429, %dma_start3A_430, %dma_start3A_431] : memref<2x640x64xf32, #tpu.memory_space<vmem>> -> memref<1x128x64xf32, #tpu.memory_space<vmem>>
      %dma_start3A_433 = tpu.memref_squeeze %dma_start3A_432 : memref<1x128x64xf32, #tpu.memory_space<vmem>> -> memref<128x64xf32, #tpu.memory_space<vmem>>
      %dma_start3A_434 = tpu.memref_slice %arg5[%add3A_428] : memref<25600xi32, #tpu.memory_space<vmem>> -> memref<128xi32, #tpu.memory_space<vmem>>
      %dma_start3A_435 = arith.constant 0 : i32
      %dma_start3A_436 = arith.constant 0 : i32
      %dma_start3A_437 = tpu.memref_slice %arg2[%dma_start3A_435, %dma_start3A_436] : memref<100000x64xf32, #tpu.memory_space<hbm>> -> memref<100000x64xf32, #tpu.memory_space<hbm>>
      tpu.enqueue_indirect_dma source(%dma_start3A_437 : memref<100000x64xf32, #tpu.memory_space<hbm>>) target(%dma_start3A_433 : memref<128x64xf32, #tpu.memory_space<vmem>>) offsets(%dma_start3A_434 : memref<128xi32, #tpu.memory_space<vmem>>) semaphore(%arg8 : memref<!tpu.dma_semaphore, #tpu.memory_space<semaphore_mem>>)
    }
    %scan3A_138 = arith.constant 19 : i32
    %dma_wait3A_139 = arith.constant 1 : i32
    %dma_wait3A_140 = arith.constant 0 : i32
    %dma_wait3A_141 = arith.constant 0 : i32
    %dma_wait3A_142 = tpu.memref_slice %arg6[%dma_wait3A_139, %dma_wait3A_140, %dma_wait3A_141] : memref<2x640x64xf32, #tpu.memory_space<vmem>> -> memref<1x640x64xf32, #tpu.memory_space<vmem>>
    %dma_wait3A_143 = tpu.memref_squeeze %dma_wait3A_142 : memref<1x640x64xf32, #tpu.memory_space<vmem>> -> memref<640x64xf32, #tpu.memory_space<vmem>>
    %dma_wait3A_144 = arith.constant 0 : i32
    %dma_wait3A_145 = arith.constant 0 : i32
    %dma_wait3A_146 = tpu.memref_slice %arg2[%dma_wait3A_144, %dma_wait3A_145] : memref<100000x64xf32, #tpu.memory_space<hbm>> -> memref<640x64xf32, #tpu.memory_space<hbm>>
    %dma_wait3A_147 = arith.constant 0 : i32
    %dma_wait3A_148 = arith.constant 0 : i32
    %dma_wait3A_149 = tpu.memref_slice %arg6[%dma_wait3A_139, %dma_wait3A_147, %dma_wait3A_148] : memref<2x640x64xf32, #tpu.memory_space<vmem>> -> memref<1x640x64xf32, #tpu.memory_space<vmem>>
    %dma_wait3A_150 = tpu.memref_squeeze %dma_wait3A_149 : memref<1x640x64xf32, #tpu.memory_space<vmem>> -> memref<640x64xf32, #tpu.memory_space<vmem>>
    %dma_wait3A_151 = arith.constant 0 : i32
    %dma_wait3A_152 = arith.constant 0 : i32
    %dma_wait3A_153 = tpu.memref_slice %arg2[%dma_wait3A_151, %dma_wait3A_152] : memref<100000x64xf32, #tpu.memory_space<hbm>> -> memref<640x64xf32, #tpu.memory_space<hbm>>
    tpu.wait_dma2 semaphore(%arg8 : memref<!tpu.dma_semaphore, #tpu.memory_space<semaphore_mem>>) src(%dma_wait3A_153 : memref<640x64xf32, #tpu.memory_space<hbm>>) dst(%dma_wait3A_150 : memref<640x64xf32, #tpu.memory_space<vmem>>)
    %add3A_154 = arith.constant 24960 : i32
    %add3A_155 = arith.addi %mul3A_2, %add3A_154 : i32
    %dma_start3A_156 = arith.constant 1 : i32
    %dma_start3A_157 = arith.constant 0 : i32
    %dma_start3A_158 = arith.constant 0 : i32
    %dma_start3A_159 = tpu.memref_slice %arg6[%dma_start3A_156, %dma_start3A_157, %dma_start3A_158] : memref<2x640x64xf32, #tpu.memory_space<vmem>> -> memref<1x640x64xf32, #tpu.memory_space<vmem>>
    %dma_start3A_160 = tpu.memref_squeeze %dma_start3A_159 : memref<1x640x64xf32, #tpu.memory_space<vmem>> -> memref<640x64xf32, #tpu.memory_space<vmem>>
    %dma_start3A_161 = arith.constant 0 : i32
    %dma_start3A_162 = tpu.memref_slice %arg4[%add3A_155, %dma_start3A_161] : memref<819200x64xf32, #tpu.memory_space<hbm>> -> memref<640x64xf32, #tpu.memory_space<hbm>>
    %dma_start3A_163 = arith.constant 0 : i32
    %dma_start3A_164 = tpu.memref_slice %arg4[%add3A_155, %dma_start3A_163] : memref<819200x64xf32, #tpu.memory_space<hbm>> -> memref<640x64xf32, #tpu.memory_space<hbm>>
    %dma_start3A_165 = arith.constant 0 : i32
    %dma_start3A_166 = arith.constant 0 : i32
    %dma_start3A_167 = tpu.memref_slice %arg6[%dma_start3A_156, %dma_start3A_165, %dma_start3A_166] : memref<2x640x64xf32, #tpu.memory_space<vmem>> -> memref<1x640x64xf32, #tpu.memory_space<vmem>>
    %dma_start3A_168 = tpu.memref_squeeze %dma_start3A_167 : memref<1x640x64xf32, #tpu.memory_space<vmem>> -> memref<640x64xf32, #tpu.memory_space<vmem>>
    tpu.enqueue_dma source(%dma_start3A_168 : memref<640x64xf32, #tpu.memory_space<vmem>>) target(%dma_start3A_164 : memref<640x64xf32, #tpu.memory_space<hbm>>) target_semaphore(%arg9 : memref<!tpu.dma_semaphore, #tpu.memory_space<semaphore_mem>>)
    %dma_wait3A_169 = arith.constant 0 : i32
    %dma_wait3A_170 = arith.constant 0 : i32
    %dma_wait3A_171 = arith.constant 0 : i32
    %dma_wait3A_172 = tpu.memref_slice %arg6[%dma_wait3A_169, %dma_wait3A_170, %dma_wait3A_171] : memref<2x640x64xf32, #tpu.memory_space<vmem>> -> memref<1x640x64xf32, #tpu.memory_space<vmem>>
    %dma_wait3A_173 = tpu.memref_squeeze %dma_wait3A_172 : memref<1x640x64xf32, #tpu.memory_space<vmem>> -> memref<640x64xf32, #tpu.memory_space<vmem>>
    %dma_wait3A_174 = arith.constant 0 : i32
    %dma_wait3A_175 = arith.constant 0 : i32
    %dma_wait3A_176 = tpu.memref_slice %arg2[%dma_wait3A_174, %dma_wait3A_175] : memref<100000x64xf32, #tpu.memory_space<hbm>> -> memref<640x64xf32, #tpu.memory_space<hbm>>
    %dma_wait3A_177 = arith.constant 0 : i32
    %dma_wait3A_178 = arith.constant 0 : i32
    %dma_wait3A_179 = tpu.memref_slice %arg6[%dma_wait3A_169, %dma_wait3A_177, %dma_wait3A_178] : memref<2x640x64xf32, #tpu.memory_space<vmem>> -> memref<1x640x64xf32, #tpu.memory_space<vmem>>
    %dma_wait3A_180 = tpu.memref_squeeze %dma_wait3A_179 : memref<1x640x64xf32, #tpu.memory_space<vmem>> -> memref<640x64xf32, #tpu.memory_space<vmem>>
    %dma_wait3A_181 = arith.constant 0 : i32
    %dma_wait3A_182 = arith.constant 0 : i32
    %dma_wait3A_183 = tpu.memref_slice %arg2[%dma_wait3A_181, %dma_wait3A_182] : memref<100000x64xf32, #tpu.memory_space<hbm>> -> memref<640x64xf32, #tpu.memory_space<hbm>>
    tpu.wait_dma2 semaphore(%arg9 : memref<!tpu.dma_semaphore, #tpu.memory_space<semaphore_mem>>) src(%dma_wait3A_183 : memref<640x64xf32, #tpu.memory_space<hbm>>) dst(%dma_wait3A_180 : memref<640x64xf32, #tpu.memory_space<vmem>>)
    %dma_wait3A_184 = arith.constant 1 : i32
    %dma_wait3A_185 = arith.constant 0 : i32
    %dma_wait3A_186 = arith.constant 0 : i32
    %dma_wait3A_187 = tpu.memref_slice %arg6[%dma_wait3A_184, %dma_wait3A_185, %dma_wait3A_186] : memref<2x640x64xf32, #tpu.memory_space<vmem>> -> memref<1x640x64xf32, #tpu.memory_space<vmem>>
    %dma_wait3A_188 = tpu.memref_squeeze %dma_wait3A_187 : memref<1x640x64xf32, #tpu.memory_space<vmem>> -> memref<640x64xf32, #tpu.memory_space<vmem>>
    %dma_wait3A_189 = arith.constant 0 : i32
    %dma_wait3A_190 = arith.constant 0 : i32
    %dma_wait3A_191 = tpu.memref_slice %arg2[%dma_wait3A_189, %dma_wait3A_190] : memref<100000x64xf32, #tpu.memory_space<hbm>> -> memref<640x64xf32, #tpu.memory_space<hbm>>
    %dma_wait3A_192 = arith.constant 0 : i32
    %dma_wait3A_193 = arith.constant 0 : i32
    %dma_wait3A_194 = tpu.memref_slice %arg6[%dma_wait3A_184, %dma_wait3A_192, %dma_wait3A_193] : memref<2x640x64xf32, #tpu.memory_space<vmem>> -> memref<1x640x64xf32, #tpu.memory_space<vmem>>
    %dma_wait3A_195 = tpu.memref_squeeze %dma_wait3A_194 : memref<1x640x64xf32, #tpu.memory_space<vmem>> -> memref<640x64xf32, #tpu.memory_space<vmem>>
    %dma_wait3A_196 = arith.constant 0 : i32
    %dma_wait3A_197 = arith.constant 0 : i32
    %dma_wait3A_198 = tpu.memref_slice %arg2[%dma_wait3A_196, %dma_wait3A_197] : memref<100000x64xf32, #tpu.memory_space<hbm>> -> memref<640x64xf32, #tpu.memory_space<hbm>>
    tpu.wait_dma2 semaphore(%arg9 : memref<!tpu.dma_semaphore, #tpu.memory_space<semaphore_mem>>) src(%dma_wait3A_198 : memref<640x64xf32, #tpu.memory_space<hbm>>) dst(%dma_wait3A_195 : memref<640x64xf32, #tpu.memory_space<vmem>>)
    return
  }
}

</mosaic_0001>

<sc_bundles>
// kernel: kernel.3.cloned.1.call-start
scs
__scs_entry_jumppad:
0x0: {  	(pc) =	sbr.rel $0x88, $3  }
0x1: {  	(tag) =	ssettag $0x0;
	lr =	simm.s32 $0x1  }
0x2: {  	[smem:$0x3F9F] =	sst lr;
	_ =	strace $0xD0000000  }
0x3: {  	_ = 	snop  }
0x4: {  	_ = 	snop  }
0x5: {  	_ = 	snop  }
0x6: {  	_ = 	snop  }
0x7: {  	_ = 	snop  }
__scs_overlays_trampoline_lowered:
0x8: {  	[smem:$0x3FAE] =	sst s0  }
0x9: {  	[smem:$0x3FAF] =	sst s1  }
0xa: {  	[smem:$0x3FB0] =	sst s2  }
0xb: {  	[smem:$0x3FB1] =	sst s3  }
0xc: {  	[smem:$0x3FB2] =	sst s4  }
0xd: {  	[smem:$0x3FB3] =	sst s5  }
0xe: {  	[smem:$0x3FB4] =	sst s6  }
0xf: {  	[smem:$0x3FB5] =	sst s7  }
0x10: {  	[smem:$0x3FB6] =	sst s8  }
0x11: {  	[smem:$0x3FB7] =	sst s9;
	s0 =	simm.s32 @!p0 $0x0  }
0x12: {  	s1 =	sld [smem:$0x3F9D];
	s0 =	simm.s32 @p0 $0x1  }
0x13: {  	[smem:$0x3FB8] =	sst s0;
	s0 =	simm.s32 @!p1 $0x0  }
0x14: {  	s2 =	sld [smem:$0x3F9C];
	s0 =	simm.s32 @p1 $0x1  }
0x15: {  	[smem:$0x3FB9] =	sst s0;
	s0 =	simm.s32 @!p2 $0x0  }
0x16: {  	s3 =	sld [smem:$0x3FDB];
	s0 =	simm.s32 @p2 $0x1  }
0x17: {  	s4 =	simm.s32 $0x1BF5;
	[smem:$0x3FBB] =	sst s0  }
0x18: {  	s0 =	sld [smem:$0x3F9E];
	_ =	swait.ge [sflag:s4], $0x0  }
0x19: {  	s7 =	sld [smem:$0x3F9F]  }
0x1a: {  	s8 =	sadd.s32 $0xFFFFE003, lr  }
0x1b: {  	s9 =	sadd.s32 $0xFFFFFEF7, lr;
	s5 =	simm.s32 $0xFFFFFFFF;
	p2 =	slt.u32 s8, $0xFFFFF086  }
0x1c: {  	p1 =	slt.u32 s9, $0xF7A;
	s5 =	simm.s32 @!p2 $0x0  }
0x1d: {  	s5 =	simm.s32 @p1 $0x1;
	p0 =	seq.s32 s7, s2  }
0x1e: {  	s7 =	smul.u32 @!p0 $0xF7A, s2;
	p2 =	seq.s32 @!p0 s5, $0x0  }
0x1f: {  	s9 =	smul.u32 $0xF7A, s1;
	s8 =	simm.s32 @!p0 $0x1BF5;
	p2 =	por !p2, p0  }
0x20: {  	[sflag:s8] =	ssyncset.s32 @!p0 $0xFFFFF086;
	s6 =	sadd.s32 @!p0 s3, s7;
	s7 =	simm.s32 @!p0 $0x108  }
0x21: {  	s3 =	sadd.s32 s3, s9;
	s6 =	sadd.s32 @!p0 $0x88, s6;
	s7 =	simm.s32 @p2 $0x1082  }
0x22: {  	[simem:s7], [sflag:s8] =	dma.local @!p0 [hbm:s6], $0xF7A  }
0x23: {  	s9 =	sor.u32 $0xD0000000, s2;
	s6 =	simm.s32 $0x108;
	_ =	swait.ge @!p0 [sflag:s8], $0x0  }
0x24: {  	s3 =	sadd.s32 $0x88, s3;
	s6 =	simm.s32 @!p1 $0x1082;
	[sflag:s4] =	ssyncset.s32 $0xFFFFF086  }
0x25: {  	[simem:s6], [sflag:s4] =	dma.local [hbm:s3], $0xF7A  }
0x26: {  	[smem:$0x3F9F] =	sst s1;
	(tag) =	ssettag s2;
	_ =	strace s9  }
0x27: {  	s1 =	sld [smem:$0x3FAF]  }
0x28: {  	s2 =	sld [smem:$0x3FB0]  }
0x29: {  	s4 =	sld [smem:$0x3FB2]  }
0x2a: {  	p0 =	seq.s32 s5, $0x0;
	s5 =	sld [smem:$0x3FB3]  }
0x2b: {  	s6 =	sld [smem:$0x3FB4]  }
0x2c: {  	s7 =	sld [smem:$0x3FB5]  }
0x2d: {  	s3 =	simm.s32 $0x108;
	s8 =	sld [smem:$0x3FB6]  }
0x2e: {  	s3 =	simm.s32 @!p0 $0x1082;
	s9 =	sld [smem:$0x3FB7]  }
0x2f: {  	lr =	sadd.s32 s0, s3;
	s0 =	sld [smem:$0x3FAE]  }
0x30: {  	s3 =	sld [smem:$0x3FB1]  }
0x31: {  	[smem:$0x3FBA] =	sst s10  }
0x32: {  	s10 =	sld [smem:$0x3FB8];
	_ =	sdelay $0x3  }
0x33: {  	p0 =	seq.s32 s10, $0x1;
	s10 =	sld [smem:$0x3FBA];
	_ =	sdelay $0x3  }
0x34: {  	[smem:$0x3FBA] =	sst s10  }
0x35: {  	s10 =	sld [smem:$0x3FB9];
	_ =	sdelay $0x3  }
0x36: {  	p1 =	seq.s32 s10, $0x1;
	s10 =	sld [smem:$0x3FBA];
	_ =	sdelay $0x3  }
0x37: {  	[smem:$0x3FBA] =	sst s10  }
0x38: {  	s10 =	sld [smem:$0x3FBB]  }
0x39: {  	_ = 	snop;
	(pc) =	sbr.ind lr, $3  }
0x3a: {  	_ = 	snop  }
0x3b: {  	_ = 	snop  }
0x3c: {  	p2 =	seq.s32 s10, $0x1;
	s10 =	sld [smem:$0x3FBA]  }
0x3d: {  	_ =	shalt  }
0x3e: {  	_ =	shalt  }
0x3f: {  	_ =	shalt  }
0x40: {  	_ =	shalt  }
0x41: {  	_ =	shalt  }
0x42: {  	_ =	shalt  }
0x43: {  	_ =	shalt  }
0x44: {  	_ =	shalt  }
0x45: {  	_ =	shalt  }
0x46: {  	_ =	shalt  }
0x47: {  	_ =	shalt  }
0x48: {  	_ =	shalt  }
0x49: {  	_ =	shalt  }
0x4a: {  	_ =	shalt  }
0x4b: {  	_ =	shalt  }
0x4c: {  	_ =	shalt  }
0x4d: {  	_ =	shalt  }
0x4e: {  	_ =	shalt  }
0x4f: {  	_ =	shalt  }
0x50: {  	_ =	shalt  }
0x51: {  	_ =	shalt  }
0x52: {  	_ =	shalt  }
0x53: {  	_ =	shalt  }
0x54: {  	_ =	shalt  }
0x55: {  	_ =	shalt  }
0x56: {  	_ =	shalt  }
0x57: {  	_ =	shalt  }
0x58: {  	_ =	shalt  }
0x59: {  	_ =	shalt  }
0x5a: {  	_ =	shalt  }
0x5b: {  	_ =	shalt  }
0x5c: {  	_ =	shalt  }
0x5d: {  	_ =	shalt  }
0x5e: {  	_ =	shalt  }
0x5f: {  	_ =	shalt  }
0x60: {  	_ =	shalt  }
0x61: {  	_ =	shalt  }
0x62: {  	_ =	shalt  }
0x63: {  	_ =	shalt  }
0x64: {  	_ =	shalt  }
0x65: {  	_ =	shalt  }
0x66: {  	_ =	shalt  }
0x67: {  	_ =	shalt  }
0x68: {  	_ =	shalt  }
0x69: {  	_ =	shalt  }
0x6a: {  	_ =	shalt  }
0x6b: {  	_ =	shalt  }
0x6c: {  	_ =	shalt  }
0x6d: {  	_ =	shalt  }
0x6e: {  	_ =	shalt  }
0x6f: {  	_ =	shalt  }
0x70: {  	_ =	shalt  }
0x71: {  	_ =	shalt  }
0x72: {  	_ =	shalt  }
0x73: {  	_ =	shalt  }
0x74: {  	_ =	shalt  }
0x75: {  	_ =	shalt  }
0x76: {  	_ =	shalt  }
0x77: {  	_ =	shalt  }
0x78: {  	_ =	shalt  }
0x79: {  	_ =	shalt  }
0x7a: {  	_ =	shalt  }
0x7b: {  	_ =	shalt  }
0x7c: {  	_ =	shalt  }
0x7d: {  	_ =	shalt  }
0x7e: {  	_ =	shalt  }
0x7f: {  	_ =	shalt  }
0x80: {  	_ =	shalt  }
0x81: {  	_ =	shalt  }
0x82: {  	_ =	shalt  }
0x83: {  	_ =	shalt  }
0x84: {  	_ =	shalt  }
0x85: {  	_ =	shalt  }
0x86: {  	_ =	shalt  }
0x87: {  	_ =	shalt  }
.Lfunc_end0:
.L_simem_size_0:
called_computation.1_lowered:
.L_overlay_start_0:
0x88: {  	s2 =	sld [smem:$0x3FD9]  }
0x89: {  	s3 =	sld [smem:$0x3FFE];
	_ =	sdelay $0x1  }
0x8a: {  	s1 =	srdreg.scid  }
0x8b: {  	s0 =	sand.u32 $0x1, s1  }
0x8c: {  	s17 =	sshll.u32 s0, $0xA;
	s2 =	sadd.s32 s3, s2  }
0x8d: {  	s2 =	sadd.s32 s2, s17  }
0x8e: {  	[smem:$0x3FC6] =	sst s2  }
0x8f: {  	_ = 	snop  }
0x90: {  	s2 =	sld [smem:$0x3FD0];
	(tm) =	ssettm $0x1  }
0x91: {  	s18 =	sld [smem:$0x3FFB];
	_ =	sdelay $0x3  }
0x92: {  	_ =	strace s18  }
0x93: {  	s3 =	sld [smem:$0x3FFC];
	_ =	sdelay $0x3  }
0x94: {  	_ =	strace s3  }
0x95: {  	s3 =	sld [smem:$0x3FFD];
	_ =	sdelay $0x3  }
0x96: {  	_ =	strace s3  }
0x97: {  	_ =	strace $0x8FFFFFFF  }
0x98: {  	s19 =	sld [smem:$0x3FDB];
	_ =	sdelay $0x1  }
0x99: {  	s4 =	simm.s32 $_scs_section_size  }
0x9a: {  	s5 =	simm.s32 $_size__tile_overlayer_lowered;
	s6 =	simm.s32 $_tile_overlayer_lowered  }
0x9b: {  	s22 =	simm.s32 $0x1BFF;
	s21 =	sshll.u32 s6, $0x1;
	s3 =	sadd.s32 s4, s19  }
0x9c: {  	s7 =	simm.s32 $0x0;
	s20 =	sshll.u32 s5, $0x1;
	s5 =	sadd.s32 s21, s3  }
0x9d: {  	[timem:s7], [sflag:s22] =	dma.local [hbm:s5], s20  }
0x9e: {  	_ =	swait.ge [sflag:s22], s20  }
0x9f: {  	s4 =	ssub.s32 $0x0, s20;
	[sflag:s22] =	ssyncset.done $0x0  }
0xa0: {  	[sflag:s22] =	ssyncadd.s32 s4;
	_ =	sdelay $0x1  }
0xa1: {  	s23 =	simm.s32 $0x1B8B  }
0xa2: {  	_ =	swait.ge [sflag:s23], $0x1  }
0xa3: {  	[sflag:s23] =	ssyncset.done $0x0  }
0xa4: {  	s25 =	simm.s32 $0x1B8E;
	s24 =	sld [smem:$0x3FFE];
	[sflag:s23] =	ssyncadd.s32 $0xFFFFFFFF  }
0xa5: {  	s26 =	simm.s32 $execute0_lowered;
	[smem:$0x3FD2] =	sst s25  }
0xa6: {  	s5 =	sshll.u32 s26, $0x1;
	_ =	strace $0x80000046;
	[dreg:$0x1] =	wrdreg $0xFFFFFFFF  }
0xa7: {  	s28 =	simm.s32 $_size_execute0_lowered;
	s3 =	sadd.s32 s3, s5;
	[dreg:$0x0] =	wrdreg $0x0  }
0xa8: {  	s5 =	sshll.u32 s28, $0x1;
	[dreg:$0x2] =	wrdreg s3  }
0xa9: {  	[dreg:$0x3] =	wrdreg s5  }
0xaa: {  	[dreg:$0x4] =	wrdreg $0xC0  }
0xab: {  	_ =	task [dreg:s7], $0x5FFFF  }
0xac: {  	[dreg:$0x1] =	wrdreg $0xFFFFFFFF  }
0xad: {  	[dreg:$0x0] =	wrdreg $0x60  }
0xae: {  	[dreg:$0x2] =	wrdreg s24  }
0xaf: {  	[dreg:$0x3] =	wrdreg s2  }
0xb0: {  	[dreg:$0x4] =	wrdreg $0x9  }
0xb1: {  	_ =	task.clear_ibuf [dreg:s7], $0x5FFFF;
	_ =	strace $0x90000046  }
0xb2: {  	s29 =	simm.s32 $0x9;
	_ =	strace $0x80000048  }
0xb3: {  	_ =	swait.ge [sflag:s29], $0x1  }
0xb4: {  	[sflag:s29] =	ssyncadd.s32 $0xFFFFFFFF  }
0xb5: {  	_ =	strace $0x90000048  }
0xb6: {  	_ =	sfence  }
0xb7: {  	s30 =	sld [smem:$0x0];
	_ =	sdelay $0x2  }
0xb8: {  	s31 =	sshll.u32 s1, $0xD;
	s1 =	sshrl.u32 s1, $0x2  }
0xb9: {  	s3 =	sand.u32 $0x4000, s31;
	s1 =	sadd.s32 s1, s30  }
0xba: {  	s0 =	sor.u32 s3, s0;
	s1 =	sshll.u32 s1, $0x11  }
0xbb: {  	s0 =	sor.u32 s1, s0  }
0xbc: {  	s0 =	sadd.s32 $0x8F2B, s0  }
0xbd: {  	[sflag:s0] =	ssyncadd.remote.s32 $0x1  }
0xbe: {  	_ =	sfence.sel $0xFFFF  }
0xbf: {  	[dreg:$0x0] =	wrdreg $0xFFFFFFFF;
	(pc) =	sbr.abs _section_cstart, $3  }
0xc0: {  	[dreg:$0x1] =	wrdreg $0xFFFFFFFF  }
0xc1: {  	_ =	task.clear_ibuf [dreg:s7], $0x2FFFF;
	_ =	strace $0x9FFFFFFF  }
0xc2: {  	(tm) =	ssettm $0x7FFFFFFF  }
0xc3: {  	_ =	shalt  }
tec
execute0_lowered:
.L_overlay_start_1:
0x0: {  	(tag) =	ssettag $0x1  }
0x1: {  	s0 =	rddreg [dreg:$0x0];
	s1 =	srdreg.scid  }
0x2: {  	s7 =	stileid.u32;
	s6 =	rddreg [dreg:$0x1];
	s2 =	simm.s32 $0x0  }
0x3: {  	s10 =	simm.s32 $0x1;
	s11 =	simm.s32 $0x80;
	s12 =	simm.s32 $0x6400  }
0x4: {  	s13 =	simm.s32 $0x8400;
	s15 =	simm.s32 $0xA400;
	s17 =	simm.s32 $0xC400  }
0x5: {  	s19 =	simm.s32 $0xE400;
	s20 =	simm.s32 $0x2;
	s22 =	simm.s32 $0x10400  }
0x6: {  	s28 =	simm.s32 $0x400;
	s29 =	simm.s32 $0x16400;
	s30 =	simm.s32 $0x480  }
0x7: {  	s1 =	sand.u32 $0x1, s1;
	s3 =	sshll.u32 s7, $0x1;
	s7 =	smul.u32 $0xC800, s7  }
0x8: {  	s4 =	sor.u32 s1, s3;
	s8 =	ssub.s32 $0x2, s1;
	s1 =	smul.u32 $0x6400, s1  }
0x9: {  	s31 =	simm.s32 $0x18400;
	[smem:$0x7FF] =	sst s2;
	s5 =	smul.u32 $0x6400, s4  }
0xa: {  	_ =	strace $0x80000047;
	s24 =	sshrl.u32 s8, $0x1;
	s9 =	smul.u32 $0x190000, s4  }
0xb: {  	s3 =	sadd.s32 $0x19800, s0;
	s25 =	smul.u32 $0x32000, s4;
	s8 =	ssub.s32 s8, s24  }
0xc: {  	s1 =	sadd.s32 s1, s7;
	s24 =	simm.s32 $0x12400;
	s5 =	sshrl.u32 s5, $0x3  }
0xd: {  	s26 =	sshrl.u32 s9, $0x3;
	s1 =	sshll.u32 s1, $0x3;
	s7 =	smax.u32 s8, $0x1  }
0xe: {  	s0 =	sadd.s32 s5, s0;
	s5 =	sadd.s32 s6, s25;
	s1 =	sadd.s32 s6, s1  }
0xf: {  	s25 =	simm.s32 $0x380;
	s4 =	sadd.s32 $0x800, s0;
	s0 =	sadd.s32 s6, s26  }
0x10: {  	s8 =	sadd.s32 $0x1400, s1;
	s9 =	sadd.s32 $0x2800, s1;
	s26 =	simm.s32 $0x14400  }
0x11: {  	s1 =	simm.s32 $0x3;
	s6 =	sadd.s32 $0x30C00, s0;
	s0 =	simm.s32 $0x0  }
.LBB2_1:
0x12: {  	[tilespmem:s2], [sflag:$0x1] =	stream.linear.gather [hbm4b:s4+s2], $0x6400, $0x38;
	[tilespmem:$0x1A400] =	vst v63  }
0x13: {  	_ =	swait.ge [sflag:s10], $0x6400  }
0x14: {  	[sflag:s10] =	ssyncset.done $0x0  }
0x15: {  	[sflag:s10] =	ssyncadd.s32 $0xFFFF9C00  }
0x16: {  	[tilespmem:s12], [sflag:$0x2] =	stream.indirect.gather [hbm4b:s3+s11], $0x40, s2, s11, $0xb8;
	[tilespmem:$0x1A400] =	vst v63  }
0x17: {  	_ = 	snop  }
0x18: {  	[tilespmem:s13], [sflag:$0x2] =	stream.indirect.gather [hbm4b:s3+s11], $0x40, s11, s11, $0xb8;
	[tilespmem:$0x1A400] =	vst v63  }
0x19: {  	s14 =	simm.s32 $0x100  }
0x1a: {  	[tilespmem:s15], [sflag:$0x2] =	stream.indirect.gather [hbm4b:s3+s11], $0x40, s14, s11, $0xb8;
	[tilespmem:$0x1A400] =	vst v63  }
0x1b: {  	s23 =	simm.s32 $0x180  }
0x1c: {  	[tilespmem:s17], [sflag:$0x2] =	stream.indirect.gather [hbm4b:s3+s11], $0x40, s23, s11, $0xb8;
	[tilespmem:$0x1A400] =	vst v63  }
0x1d: {  	s16 =	simm.s32 $0x200  }
0x1e: {  	[tilespmem:s19], [sflag:$0x2] =	stream.indirect.gather [hbm4b:s3+s11], $0x40, s16, s11, $0xb8;
	[tilespmem:$0x1A400] =	vst v63  }
0x1f: {  	_ =	swait.ge [sflag:s20], $0xA000  }
0x20: {  	[sflag:s20] =	ssyncset.done $0x0  }
0x21: {  	[sflag:s20] =	ssyncadd.s32 $0xFFFF6000  }
0x22: {  	[hbm4b:s5+s2] =	stream.linear.scatter [tilespmem:s12], [sflag:$0x3], $0xA000, $0x38;
	[tilespmem:$0x1A400] =	vst v63  }
0x23: {  	s18 =	simm.s32 $0x280  }
0x24: {  	[tilespmem:s22], [sflag:$0x2] =	stream.indirect.gather [hbm4b:s3+s11], $0x40, s18, s11, $0xb8;
	[tilespmem:$0x1A400] =	vst v63  }
0x25: {  	s21 =	simm.s32 $0x300  }
0x26: {  	[tilespmem:s24], [sflag:$0x2] =	stream.indirect.gather [hbm4b:s3+s11], $0x40, s21, s11, $0xb8;
	[tilespmem:$0x1A400] =	vst v63  }
0x27: {  	_ = 	snop  }
0x28: {  	[tilespmem:s26], [sflag:$0x2] =	stream.indirect.gather [hbm4b:s3+s11], $0x40, s25, s11, $0xb8;
	[tilespmem:$0x1A400] =	vst v63  }
0x29: {  	_ = 	snop  }
0x2a: {  	[tilespmem:s29], [sflag:$0x2] =	stream.indirect.gather [hbm4b:s3+s11], $0x40, s28, s11, $0xb8;
	[tilespmem:$0x1A400] =	vst v63  }
0x2b: {  	_ = 	snop  }
0x2c: {  	[tilespmem:s31], [sflag:$0x2] =	stream.indirect.gather [hbm4b:s3+s11], $0x40, s30, s11, $0xb8;
	[tilespmem:$0x1A400] =	vst v63  }
0x2d: {  	_ =	swait.ge [sflag:s20], $0xA000  }
0x2e: {  	[sflag:s20] =	ssyncset.done $0x0  }
0x2f: {  	[sflag:s20] =	ssyncadd.s32 $0xFFFF6000  }
0x30: {  	[hbm4b:s8+s2] =	stream.linear.scatter [tilespmem:s22], [sflag:$0x3], $0xA000, $0x38;
	[tilespmem:$0x1A400] =	vst v63  }
0x31: {  	_ =	swait.ge [sflag:s1], $0xA000  }
0x32: {  	[sflag:s1] =	ssyncset.done $0x0  }
0x33: {  	s23 =	simm.s32 $0x500;
	[sflag:s1] =	ssyncadd.s32 $0xFFFF6000  }
0x34: {  	[tilespmem:s12], [sflag:$0x2] =	stream.indirect.gather [hbm4b:s3+s11], $0x40, s23, s11, $0xb8;
	[tilespmem:$0x1A400] =	vst v63  }
0x35: {  	s16 =	simm.s32 $0x580  }
0x36: {  	[tilespmem:s13], [sflag:$0x2] =	stream.indirect.gather [hbm4b:s3+s11], $0x40, s16, s11, $0xb8;
	[tilespmem:$0x1A400] =	vst v63  }
0x37: {  	s18 =	simm.s32 $0x600  }
0x38: {  	[tilespmem:s15], [sflag:$0x2] =	stream.indirect.gather [hbm4b:s3+s11], $0x40, s18, s11, $0xb8;
	[tilespmem:$0x1A400] =	vst v63  }
0x39: {  	s21 =	simm.s32 $0x680  }
0x3a: {  	[tilespmem:s17], [sflag:$0x2] =	stream.indirect.gather [hbm4b:s3+s11], $0x40, s21, s11, $0xb8;
	[tilespmem:$0x1A400] =	vst v63  }
0x3b: {  	s23 =	simm.s32 $0x700  }
0x3c: {  	[tilespmem:s19], [sflag:$0x2] =	stream.indirect.gather [hbm4b:s3+s11], $0x40, s23, s11, $0xb8;
	[tilespmem:$0x1A400] =	vst v63  }
0x3d: {  	_ =	swait.ge [sflag:s20], $0xA000  }
0x3e: {  	[sflag:s20] =	ssyncset.done $0x0  }
0x3f: {  	[sflag:s20] =	ssyncadd.s32 $0xFFFF6000  }
0x40: {  	[hbm4b:s9+s2] =	stream.linear.scatter [tilespmem:s12], [sflag:$0x3], $0xA000, $0x38;
	[tilespmem:$0x1A400] =	vst v63  }
0x41: {  	_ =	swait.ge [sflag:s1], $0xA000  }
0x42: {  	[sflag:s1] =	ssyncset.done $0x0  }
0x43: {  	s16 =	simm.s32 $0x780;
	[sflag:s1] =	ssyncadd.s32 $0xFFFF6000  }
0x44: {  	[tilespmem:s22], [sflag:$0x2] =	stream.indirect.gather [hbm4b:s3+s11], $0x40, s16, s11, $0xb8;
	[tilespmem:$0x1A400] =	vst v63  }
0x45: {  	s18 =	simm.s32 $0x800  }
0x46: {  	[tilespmem:s24], [sflag:$0x2] =	stream.indirect.gather [hbm4b:s3+s11], $0x40, s18, s11, $0xb8;
	[tilespmem:$0x1A400] =	vst v63  }
0x47: {  	s14 =	simm.s32 $0x1400;
	s21 =	simm.s32 $0x880;
	s23 =	simm.s32 $0x900  }
0x48: {  	[tilespmem:s26], [sflag:$0x2] =	stream.indirect.gather [hbm4b:s3+s11], $0x40, s21, s11, $0xb8;
	[tilespmem:$0x1A400] =	vst v63  }
0x49: {  	s16 =	sadd.s32 $0x2800, s8;
	s18 =	sadd.s32 $0x2800, s9;
	s21 =	simm.s32 $0x980  }
0x4a: {  	[tilespmem:s29], [sflag:$0x2] =	stream.indirect.gather [hbm4b:s3+s11], $0x40, s23, s11, $0xb8;
	[tilespmem:$0x1A400] =	vst v63  }
.LBB2_2:
0x4b: {  	[tilespmem:s31], [sflag:$0x2] =	stream.indirect.gather [hbm4b:s3+s11], $0x40, s21, s11, $0xb8;
	[tilespmem:$0x1A400] =	vst v63  }
0x4c: {  	s21 =	smov.u32 s14  }
0x4d: {  	p0 =	sne.s32 s14, $0x16800;
	s14 =	sadd.s32 $0x1400, s14;
	_ =	swait.ge [sflag:s20], $0xA000  }
0x4e: {  	[sflag:s20] =	ssyncset.done $0x0  }
0x4f: {  	[sflag:s20] =	ssyncadd.s32 $0xFFFF6000  }
0x50: {  	[hbm4b:s16+s2] =	stream.linear.scatter [tilespmem:s22], [sflag:$0x3], $0xA000, $0x38;
	[tilespmem:$0x1A400] =	vst v63  }
0x51: {  	_ =	swait.ge [sflag:s1], $0xA000  }
0x52: {  	s21 =	sshra.s32 s21, $0x2;
	[sflag:s1] =	ssyncset.done $0x0  }
0x53: {  	s23 =	sadd.s32 $0x500, s21;
	[sflag:s1] =	ssyncadd.s32 $0xFFFF6000  }
0x54: {  	[tilespmem:s12], [sflag:$0x2] =	stream.indirect.gather [hbm4b:s3+s11], $0x40, s23, s11, $0xb8;
	[tilespmem:$0x1A400] =	vst v63  }
0x55: {  	s23 =	sadd.s32 $0x580, s21  }
0x56: {  	[tilespmem:s13], [sflag:$0x2] =	stream.indirect.gather [hbm4b:s3+s11], $0x40, s23, s11, $0xb8;
	[tilespmem:$0x1A400] =	vst v63  }
0x57: {  	s23 =	sadd.s32 $0x600, s21  }
0x58: {  	[tilespmem:s15], [sflag:$0x2] =	stream.indirect.gather [hbm4b:s3+s11], $0x40, s23, s11, $0xb8;
	[tilespmem:$0x1A400] =	vst v63  }
0x59: {  	s23 =	sadd.s32 $0x680, s21  }
0x5a: {  	[tilespmem:s17], [sflag:$0x2] =	stream.indirect.gather [hbm4b:s3+s11], $0x40, s23, s11, $0xb8;
	[tilespmem:$0x1A400] =	vst v63  }
0x5b: {  	s23 =	sadd.s32 $0x700, s21  }
0x5c: {  	[tilespmem:s19], [sflag:$0x2] =	stream.indirect.gather [hbm4b:s3+s11], $0x40, s23, s11, $0xb8;
	[tilespmem:$0x1A400] =	vst v63  }
0x5d: {  	_ =	swait.ge [sflag:s20], $0xA000  }
0x5e: {  	[sflag:s20] =	ssyncset.done $0x0  }
0x5f: {  	[sflag:s20] =	ssyncadd.s32 $0xFFFF6000  }
0x60: {  	[hbm4b:s18+s2] =	stream.linear.scatter [tilespmem:s12], [sflag:$0x3], $0xA000, $0x38;
	[tilespmem:$0x1A400] =	vst v63  }
0x61: {  	_ =	swait.ge [sflag:s1], $0xA000  }
0x62: {  	[sflag:s1] =	ssyncset.done $0x0  }
0x63: {  	s23 =	sadd.s32 $0x780, s21;
	[sflag:s1] =	ssyncadd.s32 $0xFFFF6000  }
0x64: {  	[tilespmem:s22], [sflag:$0x2] =	stream.indirect.gather [hbm4b:s3+s11], $0x40, s23, s11, $0xb8;
	[tilespmem:$0x1A400] =	vst v63  }
0x65: {  	s23 =	sadd.s32 $0x800, s21  }
0x66: {  	[tilespmem:s24], [sflag:$0x2] =	stream.indirect.gather [hbm4b:s3+s11], $0x40, s23, s11, $0xb8;
	[tilespmem:$0x1A400] =	vst v63  }
.Ltmp0:
0x67: {  	s23 =	sadd.s32 $0x880, s21;
	(pc) =	sbr.rel @p0 .LBB2_2-.Ltmp0, $4  }
0x68: {  	[tilespmem:s26], [sflag:$0x2] =	stream.indirect.gather [hbm4b:s3+s11], $0x40, s23, s11, $0xb8;
	[tilespmem:$0x1A400] =	vst v63  }
0x69: {  	s23 =	sadd.s32 $0x900, s21  }
0x6a: {  	[tilespmem:s29], [sflag:$0x2] =	stream.indirect.gather [hbm4b:s3+s11], $0x40, s23, s11, $0xb8;
	[tilespmem:$0x1A400] =	vst v63  }
0x6b: {  	s16 =	sadd.s32 $0x2800, s16;
	s18 =	sadd.s32 $0x2800, s18;
	s21 =	sadd.s32 $0x980, s21  }
0x6c: {  	[tilespmem:s31], [sflag:$0x2] =	stream.indirect.gather [hbm4b:s3+s11], $0x40, s21, s11, $0xb8;
	[tilespmem:$0x1A400] =	vst v63  }
0x6d: {  	_ =	swait.ge [sflag:s20], $0xA000  }
0x6e: {  	[sflag:s20] =	ssyncset.done $0x0  }
0x6f: {  	s0 =	sadd.s32 $0x1, s0;
	[sflag:s20] =	ssyncadd.s32 $0xFFFF6000  }
0x70: {  	[hbm4b:s6+s2] =	stream.linear.scatter [tilespmem:s22], [sflag:$0x3], $0xA000, $0x38;
	[tilespmem:$0x1A400] =	vst v63  }
0x71: {  	p0 =	sne.s32 s0, s7;
	_ =	swait.ge [sflag:s1], $0xA000  }
.Ltmp1:
0x72: {  	[sflag:s1] =	ssyncset.done $0x0;
	(pc) =	sbr.rel @p0 .LBB2_1-.Ltmp1, $4  }
0x73: {  	[sflag:s1] =	ssyncadd.s32 $0xFFFF6000  }
0x74: {  	_ =	swait.ge [sflag:s1], $0xA000  }
0x75: {  	[sflag:s1] =	ssyncset.done $0x0  }
0x76: {  	[sflag:s1] =	ssyncadd.s32 $0xFFFF6000  }
0x77: {  	_ =	sfence.sel $0x180000  }
0x78: {  	[bflag:$0x0] =	sbarrier.arrive $0xFFFF  }
0x79: {  	_ =	strace $0x90000047  }
0x7a: {  	s0 =	stileid.u32;
	[bflag:$0x2] =	sbarrier.arrive $0xFFFF  }
0x7b: {  	p0 =	sne.s32 s0, $0x0;
	s0 =	rddreg [dreg:$0x2]  }
0x7c: {  	s0 =	sadd.s32 @!p0 $0x100000, s0  }
0x7d: {  	[sflag:s0] =	ssyncadd.tile.s32 @!p0 $0x1;
	_ =	shalt  }
.Lfunc_end2:
_tile_overlayer_lowered:
.L_overlay_start_2:
0x7e: {  	(tag) =	ssettag $0x2  }
0x7f: {  	s0 =	rddreg [dreg:$0x0];
	s2 =	stileid.u32  }
0x80: {  	s1 =	rddreg [dreg:$0x1];
	p0 =	sne.s32 s2, $0x0  }
0x81: {  	s3 =	rddreg [dreg:$0x2];
	[bflag:$0x3] =	sbarrier.arrive $0xFFFF;
	s2 =	simm.s32 @!p0 $0x1C04  }
0x82: {  	[timem:s3], [sflag:s2] =	dma.local @!p0 [hbm:s0], s1  }
0x83: {  	s0 =	simm.s32 @!p0 $0x4  }
0x84: {  	_ =	swait.ge @!p0 [sflag:s0], s1  }
0x85: {  	s1 =	ssub.s32 @!p0 $0x0, s1;
	[sflag:s0] =	ssyncset.done @!p0 $0x0  }
0x86: {  	[sflag:s0] =	ssyncadd.s32 @!p0 s1  }
0x87: {  	[bflag:$0x3] =	sbarrier.arrive $0xFFFF  }
0x88: {  	_ =	shalt  }

// kernel: sparse-core-data-format-call.cloned.1.call-start
scs
called_computation_lowered:
.L_overlay_start_0:
0x0: {  	s2 =	sld [smem:$0x3FD9]  }
0x1: {  	s3 =	sld [smem:$0x3FFE];
	_ =	sdelay $0x1  }
0x2: {  	s1 =	srdreg.scid  }
0x3: {  	s0 =	sand.u32 $0x1, s1  }
0x4: {  	s18 =	sshll.u32 s0, $0xA;
	s2 =	sadd.s32 s3, s2  }
0x5: {  	s2 =	sadd.s32 s2, s18  }
0x6: {  	[smem:$0x3FC6] =	sst s2  }
0x7: {  	_ = 	snop  }
0x8: {  	s2 =	sld [smem:$0x3FD0];
	(tm) =	ssettm $0x1  }
0x9: {  	s19 =	sld [smem:$0x3FFB];
	_ =	sdelay $0x3  }
0xa: {  	_ =	strace s19  }
0xb: {  	s3 =	sld [smem:$0x3FFC];
	_ =	sdelay $0x3  }
0xc: {  	_ =	strace s3  }
0xd: {  	s3 =	sld [smem:$0x3FFD];
	_ =	sdelay $0x3  }
0xe: {  	_ =	strace s3  }
0xf: {  	_ =	strace $0x8FFFFFFF  }
0x10: {  	s20 =	sld [smem:$0x3FDB];
	_ =	sdelay $0x1  }
0x11: {  	s4 =	simm.s32 $_scs_section_size  }
0x12: {  	s5 =	simm.s32 $_size__tile_overlayer_lowered;
	s6 =	simm.s32 $_tile_overlayer_lowered  }
0x13: {  	s23 =	simm.s32 $0x1BFF;
	s22 =	sshll.u32 s6, $0x1;
	s3 =	sadd.s32 s4, s20  }
0x14: {  	s7 =	simm.s32 $0x0;
	s21 =	sshll.u32 s5, $0x1;
	s5 =	sadd.s32 s22, s3  }
0x15: {  	[timem:s7], [sflag:s23] =	dma.local [hbm:s5], s21  }
0x16: {  	_ =	swait.ge [sflag:s23], s21  }
0x17: {  	s4 =	ssub.s32 $0x0, s21;
	[sflag:s23] =	ssyncset.done $0x0  }
0x18: {  	[sflag:s23] =	ssyncadd.s32 s4;
	_ =	sdelay $0x1  }
0x19: {  	s24 =	simm.s32 $0x1B8B  }
0x1a: {  	_ =	swait.ge [sflag:s24], $0x1  }
0x1b: {  	[sflag:s24] =	ssyncset.done $0x0  }
0x1c: {  	s26 =	simm.s32 $0x1B8E;
	s25 =	sld [smem:$0x3FFE];
	[sflag:s24] =	ssyncadd.s32 $0xFFFFFFFF  }
0x1d: {  	s27 =	simm.s32 $execute0_lowered;
	[smem:$0x3FD2] =	sst s26  }
0x1e: {  	s5 =	sshll.u32 s27, $0x1;
	_ =	strace $0x80000049;
	[dreg:$0x1] =	wrdreg $0xFFFFFFFF  }
0x1f: {  	s28 =	simm.s32 $_size_execute0_lowered;
	s3 =	sadd.s32 s3, s5;
	[dreg:$0x0] =	wrdreg $0x0  }
0x20: {  	s5 =	sshll.u32 s28, $0x1;
	[dreg:$0x2] =	wrdreg s3  }
0x21: {  	[dreg:$0x3] =	wrdreg s5  }
0x22: {  	[dreg:$0x4] =	wrdreg $0xC0  }
0x23: {  	_ =	task [dreg:s7], $0x5FFFF  }
0x24: {  	[dreg:$0x1] =	wrdreg $0xFFFFFFFF  }
0x25: {  	[dreg:$0x0] =	wrdreg $0x60  }
0x26: {  	[dreg:$0x2] =	wrdreg s25  }
0x27: {  	[dreg:$0x3] =	wrdreg s2  }
0x28: {  	[dreg:$0x4] =	wrdreg $0x9  }
0x29: {  	_ =	task.clear_ibuf [dreg:s7], $0x5FFFF;
	_ =	strace $0x90000049  }
0x2a: {  	s29 =	simm.s32 $0x9;
	_ =	strace $0x8000004B  }
0x2b: {  	_ =	swait.ge [sflag:s29], $0x1  }
0x2c: {  	[sflag:s29] =	ssyncadd.s32 $0xFFFFFFFF  }
0x2d: {  	_ =	strace $0x9000004B  }
0x2e: {  	_ =	sfence  }
0x2f: {  	s30 =	sld [smem:$0x0];
	_ =	sdelay $0x2  }
0x30: {  	s31 =	sshll.u32 s1, $0xD;
	s1 =	sshrl.u32 s1, $0x2  }
0x31: {  	s3 =	sand.u32 $0x4000, s31;
	s1 =	sadd.s32 s1, s30  }
0x32: {  	s0 =	sor.u32 s3, s0;
	s1 =	sshll.u32 s1, $0x11  }
0x33: {  	s0 =	sor.u32 s1, s0  }
0x34: {  	s0 =	sadd.s32 $0x8F2B, s0  }
0x35: {  	[sflag:s0] =	ssyncadd.remote.s32 $0x1  }
0x36: {  	_ =	sfence.sel $0xFFFF  }
0x37: {  	[dreg:$0x0] =	wrdreg $0xFFFFFFFF;
	(pc) =	sbr.abs _section_cstart, $3  }
0x38: {  	[dreg:$0x1] =	wrdreg $0xFFFFFFFF  }
0x39: {  	_ =	task.clear_ibuf [dreg:s7], $0x2FFFF;
	_ =	strace $0x9FFFFFFF  }
0x3a: {  	(tm) =	ssettm $0x7FFFFFFF  }
0x3b: {  	_ =	shalt  }
tec
execute0_lowered:
.L_overlay_start_1:
0x0: {  	(tag) =	ssettag $0x1  }
0x1: {  	s0 =	srdreg.scid  }
0x2: {  	s1 =	sshll.u32 s0, $0x4  }
0x3: {  	s0 =	stileid.u32;
	s1 =	sand.u32 $0x10, s1  }
0x4: {  	s1 =	sor.u32 s0, s1  }
0x5: {  	s6 =	rddreg [dreg:$0x0];
	s4 =	simm.s32 $0x1;
	s2 =	sshll.u32 s1, $0x7  }
0x6: {  	s7 =	simm.s32 $0x2;
	s12 =	simm.s32 $0x0;
	s1 =	ssub.s32 $0x4000, s2  }
0x7: {  	s8 =	simm.s32 $0x20000;
	s13 =	simm.s32 $0x0;
	s3 =	sand.u32 $0xF80, s1  }
0x8: {  	s9 =	simm.s32 $0x0;
	s5 =	sshrl.u32 s1, $0xC;
	p0 =	sne.s32 s3, $0x0  }
.Ltmp0:
0x9: {  	s1 =	rddreg [dreg:$0x2];
	s4 =	simm.s32 @!p0 $0x0;
	(pc) =	sbr.rel .LBB1_1-.Ltmp0, $4  }
0xa: {  	s11 =	simm.s32 $0x0;
	s3 =	rddreg [dreg:$0x1];
	s5 =	sadd.s32 s4, s5  }
0xb: {  	_ =	strace $0x8000004A;
	s4 =	simm.s32 $0x1;
	s5 =	smul.u32 $0x32, s5  }
0xc: {  	s6 =	sadd.s32 $0x800, s6;
	s10 =	smov.u32 s2;
	[sflag:s4] =	ssyncpa.u1 $0x0  }
0xd: {  	p0 =	por $0x0, $0x0;
	[sflag:s7] =	ssyncpa.u1 $0x0;
	s7 =	sor.u32 $0x1, s5  }
.LBB1_4:
0xe: {  	s16 =	sshll.u32 s13, $0x3;
	s17 =	sand.u32 $0x78, s13  }
0xf: {  	s30 =	sand.u32 $0x1F800, s13;
	s12 =	sshll.u32 s12, $0x11;
	s16 =	sand.u32 $0x3C00, s16  }
0x10: {  	[tilespmem:s15+$0x810 ss:$0x81] =	vst.msk $0xffff, v2;
	s31 =	sand.u32 $0x7, s13;
	s16 =	sor.u32 s17, s16;
	s17 =	sadd.s32 s3, s30  }
0x11: {  	[tilespmem:s15+$0x1020 ss:$0x81] =	vst.msk $0xffff, v0;
	s13 =	sshll.u32 s31, $0x12;
	s12 =	sadd.s32 s12, s17;
	s16 =	sshrl.u32 s16, $0x3  }
0x12: {  	[tilespmem:s15+$0x0 ss:$0x81] =	vst.msk $0xffff, v1;
	s13 =	sor.u32 $0x400, s13;
	s12 =	sadd.s32 s16, s12  }
0x13: {  	[hbm4b:s12+s13] =	stream.strided.scatter [tilespmem:s14], [sflag:$0x2], $0x2000, s8, s13, $0x20;
	[tilespmem:$0x8080] =	vst v63  }
.LBB1_5:
0x14: {  	s14 =	sadd.s32 $0x1, s9  }
0x15: {  	s12 =	sadd.s32 $0x1000, s10;
	s16 =	smov.u32 s10;
	p2 =	sgt.s32 s14, $0x31  }
0x16: {  	s16 =	smov.u32 @p2 s12  }
0x17: {  	s14 =	simm.s32 @p2 $0x0;
	p2 =	sgt.s32 s16, $0x3FFF  }
0x18: {  	s16 =	smov.u32 @p2 s2;
	p2 =	sne.s32 s11, s7  }
.Ltmp1:
0x19: {  	p1 =	slt.u32 s11, $0x2;
	(pc) =	sbr.rel @!p2 .LBB1_6-.Ltmp1, $4  }
0x1a: {  	s15 =	simm.s32 @!p1 $0x2  }
0x1b: {  	s13 =	smov.u32 s10;
	p0 =	por !p0, !p0;
	_ =	swait.ge @!p1 [sflag:s15], $0x2000  }
0x1c: {  	s12 =	smov.u32 s9;
	[sflag:s15] =	ssyncset.done @!p1 $0x0;
	s9 =	smov.u32 s14  }
0x1d: {  	s11 =	sadd.s32 $0x1, s11;
	[sflag:s15] =	ssyncadd.s32 @!p1 $0xFFFFE000;
	s10 =	smov.u32 s16  }
.LBB1_1:
0x1e: {  	p1 =	sge.u32 s11, s5  }
0x1f: {  	s14 =	sand.u32 @!p1 $0x1FFFFFF, s9  }
0x20: {  	s15 =	smulhi.u32 @!p1 $0x4924925, s14;
	_ =	sdelay $0x1  }
0x21: {  	s15 =	smul.u32 @!p1 $0x38, s15  }
0x22: {  	s16 =	sxor.u32 @!p1 $0xFFFFFFFF, s11;
	s17 =	smul.u32 @!p1 $0x380, s10  }
0x23: {  	s31 =	sadd.s32 $0xFFFFFFFF, s11;
	s16 =	sshll.u32 @!p1 s16, $0xD;
	s14 =	ssub.s32 @!p1 s14, s15  }
0x24: {  	s15 =	sand.u32 @!p1 $0x2000, s16;
	s16 =	sadd.s32 @!p1 s6, s17;
	s14 =	sshll.u32 @!p1 s14, $0x4  }
0x25: {  	s17 =	simm.s32 @!p1 $0x1C00;
	s14 =	sadd.s32 @!p1 s14, s16;
	s16 =	simm.s32 @!p1 $0x40  }
0x26: {  	[tilespmem:s15], [sflag:$0x1] =	stream.strided.gather @!p1 [hbm4b:s14+s16], $0x2000, s17, s16, $0x38;
	[tilespmem:$0x8080] =	vst v63  }
0x27: {  	p1 =	sge.u32 s31, s5  }
.Ltmp2:
0x28: {  	_ = 	snop;
	(pc) =	sbr.rel @p1 .LBB1_5-.Ltmp2, $1  }
0x29: {  	_ =	sdelay $0x3  }
0x2a: {  	s14 =	simm.s32 $0x1  }
0x2b: {  	_ =	swait.ge [sflag:s4], $0x2000;
	s14 =	simm.s32 @!p0 $0x0  }
0x2c: {  	[sflag:s4] =	ssyncset.done $0x0;
	s15 =	sshll.u32 s14, $0xD  }
0x2d: {  	[sflag:s4] =	ssyncadd.s32 $0xFFFFE000;
	s18 =	sor.u32 $0x20, s15  }
0x2e: {  	s14 =	smul.u32 $0x8100, s14;
	v3 =	vld [tilespmem:s18+$0x10]  }
0x2f: {  	s30 =	sand.u32 $0x1, s11;
	v2 =	vld [tilespmem:s18+$0xFFFFFFF0]  }
0x30: {  	s15 =	smul.u32 $0x8100, s30;
	s14 =	sshrl.u32 s14, $0x2;
	v0 =	vld [tilespmem:s18+$0x0]  }
0x31: {  	v1 =	vld [tilespmem:s18+$0xFFFFFFE0];
	s16 =	sor.u32 $0x4000, s14  }
0x32: {  	s31 =	sshrl.u32 s15, $0x2;
	s15 =	sadd.s32 $0x0, s16  }
0x33: {  	s17 =	simm.s32 $0x4;
	s18 =	sadd.s32 $0x40, s18;
	s14 =	sor.u32 $0x4000, s31;
	[tilespmem:s15+$0x1830 ss:$0x81] =	vst.msk $0xffff, v3  }
.LBB1_3:
0x34: {  	v3 =	vld [tilespmem:s18+$0x10];
	p1 =	sne.s32 s17, $0x1FC;
	[tilespmem:s15+$0x810 ss:$0x81] =	vst.msk $0xffff, v2;
	s19 =	smov.u32 s17;
	s17 =	sadd.s32 $0x4, s17  }
.Ltmp3:
0x35: {  	v2 =	vld [tilespmem:s18+$0xFFFFFFF0];
	[tilespmem:s15+$0x1020 ss:$0x81] =	vst.msk $0xffff, v0;
	(pc) =	sbr.rel @p1 .LBB1_3-.Ltmp3, $4  }
0x36: {  	v0 =	vld [tilespmem:s18+$0x0];
	[tilespmem:s15+$0x0 ss:$0x81] =	vst.msk $0xffff, v1  }
0x37: {  	s15 =	sshra.s32 s19, $0x2;
	v1 =	vld [tilespmem:s18+$0xFFFFFFE0]  }
0x38: {  	s15 =	sadd.s32 s15, s16  }
0x39: {  	s18 =	sadd.s32 $0x40, s18;
	[tilespmem:s15+$0x1830 ss:$0x81] =	vst.msk $0xffff, v3  }
.Ltmp4:
0x3a: {  	_ = 	snop;
	(pc) =	sbr.rel .LBB1_4-.Ltmp4, $1  }
0x3b: {  	_ =	sdelay $0x3  }
.LBB1_6:
0x3c: {  	_ =	sfence.sel $0x180000  }
0x3d: {  	s2 =	simm.s32 $0x1;
	[bflag:$0x0] =	sbarrier.arrive $0xFFFF  }
0x3e: {  	s31 =	simm.s32 $0x2;
	[sflag:s2] =	ssyncpa.u1 $0x1  }
0x3f: {  	[sflag:s31] =	ssyncpa.u1 $0x1  }
0x40: {  	p0 =	sne.s32 s0, $0x0;
	_ =	strace $0x9000004A  }
0x41: {  	s0 =	sadd.s32 @!p0 $0x100000, s1;
	[bflag:$0x2] =	sbarrier.arrive $0xFFFF  }
0x42: {  	[sflag:s0] =	ssyncadd.tile.s32 @!p0 $0x1;
	_ =	shalt  }
.Lfunc_end1:
_tile_overlayer_lowered:
.L_overlay_start_2:
0x43: {  	(tag) =	ssettag $0x2  }
0x44: {  	s0 =	rddreg [dreg:$0x0];
	s2 =	stileid.u32  }
0x45: {  	s1 =	rddreg [dreg:$0x1];
	p0 =	sne.s32 s2, $0x0  }
0x46: {  	s3 =	rddreg [dreg:$0x2];
	[bflag:$0x3] =	sbarrier.arrive $0xFFFF;
	s2 =	simm.s32 @!p0 $0x1C01  }
0x47: {  	[timem:s3], [sflag:s2] =	dma.local @!p0 [hbm:s0], s1  }
0x48: {  	s0 =	simm.s32 @!p0 $0x1  }
0x49: {  	_ =	swait.ge @!p0 [sflag:s0], s1  }
0x4a: {  	s1 =	ssub.s32 @!p0 $0x0, s1;
	[sflag:s0] =	ssyncset.done @!p0 $0x0  }
0x4b: {  	[sflag:s0] =	ssyncadd.s32 @!p0 s1  }
0x4c: {  	[bflag:$0x3] =	sbarrier.arrive $0xFFFF  }
0x4d: {  	_ =	shalt  }

</sc_bundles>
